<compile_context>
chip_gen: v7x
topology: tpu7x:2x2x1
jax: 0.10.2.dev20260603
libtpu: 0.0.44.dev20260713+nightly
codegen_flags: <defaults>
</compile_context>

<pallas_src>
import functools

import jax
import jax.numpy as jnp
from jax import lax
from jax.experimental import pallas as pl
from jax.experimental.pallas import tpu as pltpu
from jax.experimental.pallas import tpu_sc as plsc

N = 10000
NP = 10240
D = 256
HD = 128
QD = 64
E = 160000
EP = 163840
CT = EP // 128
NS = 16
CPT = CT // NS
RD = 8
LAG = 4
STRIPE = NP // NS
NUM_GRAPHS = 64
R = 256
NBLK = NP // R

_mesh = plsc.VectorSubcoreMesh(core_axis_name="c", subcore_axis_name="s")


@functools.partial(
    pl.kernel,
    out_type=jax.ShapeDtypeStruct((NP,), jnp.float32),
    mesh=_mesh,
    scratch_types=[
        pltpu.VMEM((CPT, 128), jnp.int32),
        pltpu.VMEM((128,), jnp.float32),
        pltpu.VMEM((STRIPE,), jnp.float32),
        pltpu.VMEM_SHARED((NP,), jnp.float32),
    ],
)
def _deg_kernel(dst_hbm, deg_hbm, dst_v, ones_v, zb_v, sdeg):
    c = lax.axis_index("c")
    s = lax.axis_index("s")
    for k in range(8):
        ones_v[pl.ds(k * 16, 16)] = jnp.ones((16,), jnp.float32)

    def zb(i, carry):
        zb_v[pl.ds(i * 16, 16)] = jnp.zeros((16,), jnp.float32)
        return carry
    lax.fori_loop(0, STRIPE // 16, zb, 0)
    pltpu.sync_copy(zb_v, sdeg.at[pl.ds(s * STRIPE, STRIPE)])
    plsc.subcore_barrier()

    pltpu.sync_copy(dst_hbm.at[pl.ds(s * CPT, CPT)], dst_v)

    def body(j, carry):
        pltpu.sync_copy(ones_v, sdeg.at[dst_v.at[j]], add=True)
        return carry
    lax.fori_loop(0, CPT, body, 0)
    plsc.subcore_barrier()

    @pl.when(c == 0)
    def _():
        pltpu.sync_copy(sdeg.at[pl.ds(s * STRIPE, STRIPE)],
                        deg_hbm.at[pl.ds(s * STRIPE, STRIPE)])


@functools.partial(
    pl.kernel,
    out_type=jax.ShapeDtypeStruct((2, NP, HD), jnp.bfloat16),
    mesh=_mesh,
    compiler_params=pltpu.CompilerParams(use_tc_tiling_on_sc=False),
    scratch_types=[
        pltpu.VMEM((CPT, 128), jnp.int32),
        pltpu.VMEM((CPT, 128), jnp.int32),
        pltpu.VMEM((RD, 128, HD), jnp.bfloat16),
        pltpu.VMEM_SHARED((NP, HD), jnp.bfloat16),
        pltpu.SemaphoreType.DMA((RD,)),
        pltpu.SemaphoreType.DMA((RD,)),
    ],
)
def _agg_kernel(sflat_hbm, src_hbm, dst_hbm, zeros_hbm, out_hbm,
                src_v, dst_v, rows, sout, gsem, ssem):
    c = lax.axis_index("c")
    s = lax.axis_index("s")

    pltpu.sync_copy(dst_hbm.at[pl.ds(s * CPT, CPT)], dst_v)
    pltpu.sync_copy(zeros_hbm.at[pl.ds(s * STRIPE, STRIPE)],
                    sout.at[pl.ds(s * STRIPE, STRIPE)])
    pltpu.sync_copy(src_hbm.at[c, pl.ds(s * CPT, CPT)], src_v)
    plsc.subcore_barrier()

    def body(j, carry):
        b = lax.rem(j, RD)

        @pl.when(jnp.logical_and(j >= RD, j - RD < CPT))
        def _():
            pltpu.make_async_copy(
                rows.at[b], sout.at[dst_v.at[lax.rem(j, CPT)]],
                ssem.at[b]).wait()

        @pl.when(j < CPT)
        def _():
            pltpu.async_copy(sflat_hbm.at[src_v.at[j]],
                             rows.at[b], gsem.at[b])

        jj = j - LAG
        bb = lax.rem(j + RD - LAG, RD)

        @pl.when(jnp.logical_and(jj >= 0, jj < CPT))
        def _():
            pltpu.make_async_copy(sflat_hbm.at[pl.ds(0, 128)],
                                  rows.at[bb], gsem.at[bb]).wait()
            pltpu.async_copy(rows.at[bb], sout.at[dst_v.at[jj]],
                             ssem.at[bb], add=True)
        return carry
    lax.fori_loop(0, CPT + RD, body, 0)

    plsc.subcore_barrier()
    pltpu.sync_copy(sout.at[pl.ds(s * STRIPE, STRIPE)],
                    out_hbm.at[c, pl.ds(s * STRIPE, STRIPE)])


def _mm_halves(h0, h1, w_ref):
    outs = []
    for cp in range(2):
        u = jnp.dot(h0, w_ref[0, :, cp, :], preferred_element_type=jnp.float32)
        u = u + jnp.dot(h1, w_ref[1, :, cp, :],
                        preferred_element_type=jnp.float32)
        outs.append(u)
    return outs


def _store_halves(o_ref, u0, u1, dinv):
    o_ref[0] = (u0 * dinv).astype(jnp.bfloat16)
    o_ref[1] = (u1 * dinv).astype(jnp.bfloat16)


def _a1_body(x_ref, deg_ref, w_ref, o_ref):
    dinv = lax.rsqrt(deg_ref[0, 0, :] + 1.0)[:, None]
    u0, u1 = _mm_halves(x_ref[:, :HD], x_ref[:, HD:], w_ref)
    _store_halves(o_ref, u0, u1, dinv)


def _a_body(e_ref, s_ref, deg_ref, w_ref, b_ref, o_ref):
    dinv = lax.rsqrt(deg_ref[0, 0, :] + 1.0)[:, None]
    e0 = e_ref[0].astype(jnp.float32) + s_ref[0].astype(jnp.float32)
    e1 = e_ref[1].astype(jnp.float32) + s_ref[1].astype(jnp.float32)
    h0 = jnp.maximum(dinv * e0 + b_ref[0], 0.0)
    h1 = jnp.maximum(dinv * e1 + b_ref[1], 0.0)
    u0, u1 = _mm_halves(h0, h1, w_ref)
    _store_halves(o_ref, u0, u1, dinv)


def _f_body(e_ref, s_ref, deg_ref, b_ref, batch_ref,
            l1w_ref, l1b_ref, l2w_ref, l2b_ref, o_ref,
            acc0, acc1, cnt):
    i = pl.program_id(0)

    @pl.when(i == 0)
    def _():
        acc0[:] = jnp.zeros((NUM_GRAPHS, HD), jnp.float32)
        acc1[:] = jnp.zeros((NUM_GRAPHS, HD), jnp.float32)
        cnt[:] = jnp.zeros((NUM_GRAPHS, HD), jnp.float32)

    dinv = lax.rsqrt(deg_ref[0, 0, :] + 1.0)[:, None]
    e0 = e_ref[0].astype(jnp.float32) + s_ref[0].astype(jnp.float32)
    e1 = e_ref[1].astype(jnp.float32) + s_ref[1].astype(jnp.float32)
    h0 = jnp.maximum(dinv * e0 + b_ref[0], 0.0)
    h1 = jnp.maximum(dinv * e1 + b_ref[1], 0.0)
    gids = lax.broadcasted_iota(jnp.int32, (NUM_GRAPHS, R), 0)
    pt = (gids == batch_ref[0, 0, :][None, :]).astype(jnp.float32)
    acc0[:] += jnp.dot(pt, h0, preferred_element_type=jnp.float32)
    acc1[:] += jnp.dot(pt, h1, preferred_element_type=jnp.float32)
    cnt[:] += jnp.broadcast_to(jnp.sum(pt, axis=1, keepdims=True),
                               (NUM_GRAPHS, HD))

    @pl.when(i == NBLK - 1)
    def _():
        cts = jnp.maximum(cnt[:, 0:1], 1.0)
        p0 = acc0[:] / cts
        p1 = acc1[:] / cts
        z = jnp.dot(p0, l1w_ref[0], preferred_element_type=jnp.float32)
        z = z + jnp.dot(p1, l1w_ref[1], preferred_element_type=jnp.float32)
        z = jnp.maximum(z + l1b_ref[0, :][None, :], 0.0)
        o_ref[:] = (jnp.dot(z, l2w_ref[:], preferred_element_type=jnp.float32)
                    + l2b_ref[0, :][None, :])


def _tc_a1(xp, deg3, w):
    return pl.pallas_call(
        _a1_body,
        grid=(NBLK,),
        in_specs=[
            pl.BlockSpec((R, D), lambda i: (i, 0)),
            pl.BlockSpec((1, 1, R), lambda i: (i, 0, 0)),
            pl.BlockSpec((2, HD, 2, HD), lambda i: (0, 0, 0, 0)),
        ],
        out_specs=pl.BlockSpec((2, R, HD), lambda i: (0, i, 0)),
        out_shape=jax.ShapeDtypeStruct((2, NP, HD), jnp.bfloat16),
    )(xp, deg3, w)


def _tc_a(e, sv, deg3, w, b):
    return pl.pallas_call(
        _a_body,
        grid=(NBLK,),
        in_specs=[
            pl.BlockSpec((2, R, HD), lambda i: (0, i, 0)),
            pl.BlockSpec((2, R, HD), lambda i: (0, i, 0)),
            pl.BlockSpec((1, 1, R), lambda i: (i, 0, 0)),
            pl.BlockSpec((2, HD, 2, HD), lambda i: (0, 0, 0, 0)),
            pl.BlockSpec((2, HD), lambda i: (0, 0)),
        ],
        out_specs=pl.BlockSpec((2, R, HD), lambda i: (0, i, 0)),
        out_shape=jax.ShapeDtypeStruct((2, NP, HD), jnp.bfloat16),
    )(e, sv, deg3, w, b)


def _tc_final(e, sv, deg3, b, batch3, l1w, l1b, l2w, l2b):
    return pl.pallas_call(
        _f_body,
        grid=(NBLK,),
        in_specs=[
            pl.BlockSpec((2, R, HD), lambda i: (0, i, 0)),
            pl.BlockSpec((2, R, HD), lambda i: (0, i, 0)),
            pl.BlockSpec((1, 1, R), lambda i: (i, 0, 0)),
            pl.BlockSpec((2, HD), lambda i: (0, 0)),
            pl.BlockSpec((1, 1, R), lambda i: (i, 0, 0)),
            pl.BlockSpec((2, HD, D), lambda i: (0, 0, 0)),
            pl.BlockSpec((1, D), lambda i: (0, 0)),
            pl.BlockSpec((D, 10), lambda i: (0, 0)),
            pl.BlockSpec((1, 10), lambda i: (0, 0)),
        ],
        out_specs=pl.BlockSpec((NUM_GRAPHS, 10), lambda i: (0, 0)),
        out_shape=jax.ShapeDtypeStruct((NUM_GRAPHS, 10), jnp.float32),
        scratch_shapes=[
            pltpu.VMEM((NUM_GRAPHS, HD), jnp.float32),
            pltpu.VMEM((NUM_GRAPHS, HD), jnp.float32),
            pltpu.VMEM((NUM_GRAPHS, HD), jnp.float32),
        ],
    )(e, sv, deg3, b, batch3, l1w, l1b, l2w, l2b)


def kernel(x, edge_index, batch, conv_W, conv_b, lin1_W, lin1_b, lin2_W,
           lin2_b):
    src = edge_index[0].astype(jnp.int32)
    dst = edge_index[1].astype(jnp.int32)
    pad = jnp.full((EP - E,), N, jnp.int32)
    src_p = jnp.concatenate([src, pad])
    dst_p = jnp.concatenate([dst, pad])
    src2 = jnp.stack([src_p, src_p + NP]).reshape(2, CT, 128)
    dst2 = dst_p.reshape(CT, 128)

    xp = jnp.pad(x, ((0, NP - N), (0, 0)))
    batch3 = jnp.concatenate(
        [batch.astype(jnp.int32),
         jnp.full((NP - N,), NUM_GRAPHS, jnp.int32)]).reshape(NBLK, 1, R)

    w = conv_W.reshape(3, 2, HD, 2, HD)
    b = conv_b.reshape(3, 2, HD)
    l1w = lin1_W.reshape(2, HD, D)
    l1b = lin1_b.reshape(1, D)
    l2b = lin2_b.reshape(1, 10)

    deg = _deg_kernel(dst2)
    deg3 = deg.reshape(NBLK, 1, R)

    s1 = _tc_a1(xp, deg3, w[0])
    zeros_h = jnp.zeros((NP, HD), jnp.bfloat16)
    e1 = _agg_kernel(s1.reshape(2 * NP, HD), src2, dst2, zeros_h)
    s2 = _tc_a(e1, s1, deg3, w[1], b[0])
    e2 = _agg_kernel(s2.reshape(2 * NP, HD), src2, dst2, zeros_h)
    s3 = _tc_a(e2, s2, deg3, w[2], b[1])
    e3 = _agg_kernel(s3.reshape(2 * NP, HD), src2, dst2, zeros_h)

    return _tc_final(e3, s3, deg3, b[2], batch3, l1w, l1b, lin2_W, l2b)

# --- scband reference (transcript-rebuilt; emitter-appended) ---
"""Pipeline reference for scband-baseline-59777354826142 (READ-ONLY COPY).

The authoritative reference and input builder live on the scoring server;
editing this copy changes nothing except your own understanding.
"""

import jax, jax.numpy as jnp
import numpy as np

N_NODES = 10000
N_EDGES = 160000
D = 256
H = 256
LABEL = 10
N_LAYER = 3
NUM_GRAPHS = 64


def setup_inputs(seed: int = 0) -> dict:
    key = jax.random.key(seed)
    ks = jax.random.split(key, 10)
    x = jax.random.normal(ks[0], (N_NODES, D), dtype=jnp.float32)
    edge_index = jax.random.randint(ks[1], (2, N_EDGES), 0, N_NODES, dtype=jnp.int64)
    batch = jnp.sort(jax.random.randint(ks[2], (N_NODES,), 0, NUM_GRAPHS, dtype=jnp.int64))
    s = 1.0 / np.sqrt(D)
    conv_W = jax.random.uniform(ks[3], (N_LAYER, D, D), dtype=jnp.float32, minval=-s, maxval=s)
    conv_b = jax.random.uniform(ks[4], (N_LAYER, D), dtype=jnp.float32, minval=-s, maxval=s)
    lin1_W = jax.random.uniform(ks[5], (D, H), dtype=jnp.float32, minval=-s, maxval=s)
    lin1_b = jax.random.uniform(ks[6], (H,), dtype=jnp.float32, minval=-s, maxval=s)
    sh = 1.0 / np.sqrt(H)
    lin2_W = jax.random.uniform(ks[7], (H, LABEL), dtype=jnp.float32, minval=-sh, maxval=sh)
    lin2_b = jax.random.uniform(ks[8], (LABEL,), dtype=jnp.float32, minval=-sh, maxval=sh)
    return {"x": x, "edge_index": edge_index, "batch": batch, "conv_W": conv_W,
            "conv_b": conv_b, "lin1_W": lin1_W, "lin1_b": lin1_b, "lin2_W": lin2_W, "lin2_b": lin2_b}


def _gcn_conv(x, src, dst, norm, W, b):
    # GCNConv: linear transform, then symmetric-normalized scatter-add aggregation
    h = x @ W
    msgs = h[src] * norm[:, None]
    out = jnp.zeros_like(h).at[dst].add(msgs)
    return out + b


def reference(x, edge_index, batch, conv_W, conv_b, lin1_W, lin1_b, lin2_W, lin2_b):
    N = x.shape[0]
    loop = jnp.arange(N, dtype=edge_index.dtype)
    src = jnp.concatenate([edge_index[0], loop])
    dst = jnp.concatenate([edge_index[1], loop])
    # degree (with self-loops) and symmetric normalization deg^-1/2[src]*deg^-1/2[dst]
    deg = jnp.zeros((N,), dtype=x.dtype).at[dst].add(1.0)
    dinv = jnp.where(deg > 0, 1.0 / jnp.sqrt(deg), 0.0)
    norm = dinv[src] * dinv[dst]
    h = x
    for i in range(N_LAYER):
        h = _gcn_conv(h, src, dst, norm, conv_W[i], conv_b[i])
        h = jax.nn.relu(h)
        # dropout is a no-op in eval mode
    # global_mean_pool over graphs
    sums = jax.ops.segment_sum(h, batch, num_segments=NUM_GRAPHS)
    counts = jax.ops.segment_sum(jnp.ones((N,), dtype=h.dtype), batch, num_segments=NUM_GRAPHS)
    pooled = sums / jnp.maximum(counts, 1.0)[:, None]
    z = jax.nn.relu(pooled @ lin1_W + lin1_b)
    out = z @ lin2_W + lin2_b
    return out

if __name__ == "__main__":
    import jax
    _d = setup_inputs()
    print(jax.jit(kernel)(*tuple(_d.values())))

</pallas_src>

<mosaic_0001>
#map = affine_map<(d0, d1) -> (0, 0)>
#map1 = affine_map<(d0, d1) -> (0)>
module attributes {stable_mosaic.version = 14 : i64} {
  func.func @_deg_kernel(%arg0: i32, %arg1: i32, %arg2: memref<1280x128xi32, #tpu.memory_space<hbm>>, %arg3: memref<10240xf32, #tpu.memory_space<hbm>>, %arg4: memref<80x128xi32, #tpu.memory_space<vmem>>, %arg5: memref<128xf32, #tpu.memory_space<vmem>>, %arg6: memref<640xf32, #tpu.memory_space<vmem>>, %arg7: memref<10240xf32, #tpu.memory_space<vmem_shared>>) attributes {dimension_semantics = [#tpu.dimension_semantics<core_parallel>, #tpu.dimension_semantics<subcore_parallel>], iteration_bounds = array<i64: 2, 16>, scalar_prefetch = 0 : i64, scratch_operands = 4 : i64, tpu.core_type = #tpu.core_type<sc_vector_subcore>, window_params = [{transform_indices = #map}, {transform_indices = #map1}]} {
    %broadcast_in_dim3A = arith.constant 1.000000e+00 : f32
    %broadcast_in_dim3A_0 = vector.broadcast %broadcast_in_dim3A : f32 to vector<16xf32>
    %swap3A = arith.constant 0 : index
    %swap3A_1 = tpu.vector_load %arg5[%swap3A] {strides = array<i32>} : memref<128xf32, #tpu.memory_space<vmem>>, vector<16xf32>,
    %swap3A_2 = vector.shape_cast %swap3A_1 : vector<16xf32> to vector<16xf32>
    %swap3A_3 = vector.shape_cast %broadcast_in_dim3A_0 : vector<16xf32> to vector<16xf32>
    tpu.vector_store %arg5[%swap3A], %swap3A_3 {strides = array<i32>} : memref<128xf32, #tpu.memory_space<vmem>>, vector<16xf32>,
    %broadcast_in_dim3A_4 = arith.constant 1.000000e+00 : f32
    %broadcast_in_dim3A_5 = vector.broadcast %broadcast_in_dim3A_4 : f32 to vector<16xf32>
    %swap3A_6 = arith.constant 16 : index
    %swap3A_7 = tpu.vector_load %arg5[%swap3A_6] {strides = array<i32>} : memref<128xf32, #tpu.memory_space<vmem>>, vector<16xf32>,
    %swap3A_8 = vector.shape_cast %swap3A_7 : vector<16xf32> to vector<16xf32>
    %swap3A_9 = vector.shape_cast %broadcast_in_dim3A_5 : vector<16xf32> to vector<16xf32>
    tpu.vector_store %arg5[%swap3A_6], %swap3A_9 {strides = array<i32>} : memref<128xf32, #tpu.memory_space<vmem>>, vector<16xf32>,
    %broadcast_in_dim3A_10 = arith.constant 1.000000e+00 : f32
    %broadcast_in_dim3A_11 = vector.broadcast %broadcast_in_dim3A_10 : f32 to vector<16xf32>
    %swap3A_12 = arith.constant 32 : index
    %swap3A_13 = tpu.vector_load %arg5[%swap3A_12] {strides = array<i32>} : memref<128xf32, #tpu.memory_space<vmem>>, vector<16xf32>,
    %swap3A_14 = vector.shape_cast %swap3A_13 : vector<16xf32> to vector<16xf32>
    %swap3A_15 = vector.shape_cast %broadcast_in_dim3A_11 : vector<16xf32> to vector<16xf32>
    tpu.vector_store %arg5[%swap3A_12], %swap3A_15 {strides = array<i32>} : memref<128xf32, #tpu.memory_space<vmem>>, vector<16xf32>,
    %broadcast_in_dim3A_16 = arith.constant 1.000000e+00 : f32
    %broadcast_in_dim3A_17 = vector.broadcast %broadcast_in_dim3A_16 : f32 to vector<16xf32>
    %swap3A_18 = arith.constant 48 : index
    %swap3A_19 = tpu.vector_load %arg5[%swap3A_18] {strides = array<i32>} : memref<128xf32, #tpu.memory_space<vmem>>, vector<16xf32>,
    %swap3A_20 = vector.shape_cast %swap3A_19 : vector<16xf32> to vector<16xf32>
    %swap3A_21 = vector.shape_cast %broadcast_in_dim3A_17 : vector<16xf32> to vector<16xf32>
    tpu.vector_store %arg5[%swap3A_18], %swap3A_21 {strides = array<i32>} : memref<128xf32, #tpu.memory_space<vmem>>, vector<16xf32>,
    %broadcast_in_dim3A_22 = arith.constant 1.000000e+00 : f32
    %broadcast_in_dim3A_23 = vector.broadcast %broadcast_in_dim3A_22 : f32 to vector<16xf32>
    %swap3A_24 = arith.constant 64 : index
    %swap3A_25 = tpu.vector_load %arg5[%swap3A_24] {strides = array<i32>} : memref<128xf32, #tpu.memory_space<vmem>>, vector<16xf32>,
    %swap3A_26 = vector.shape_cast %swap3A_25 : vector<16xf32> to vector<16xf32>
    %swap3A_27 = vector.shape_cast %broadcast_in_dim3A_23 : vector<16xf32> to vector<16xf32>
    tpu.vector_store %arg5[%swap3A_24], %swap3A_27 {strides = array<i32>} : memref<128xf32, #tpu.memory_space<vmem>>, vector<16xf32>,
    %broadcast_in_dim3A_28 = arith.constant 1.000000e+00 : f32
    %broadcast_in_dim3A_29 = vector.broadcast %broadcast_in_dim3A_28 : f32 to vector<16xf32>
    %swap3A_30 = arith.constant 80 : index
    %swap3A_31 = tpu.vector_load %arg5[%swap3A_30] {strides = array<i32>} : memref<128xf32, #tpu.memory_space<vmem>>, vector<16xf32>,
    %swap3A_32 = vector.shape_cast %swap3A_31 : vector<16xf32> to vector<16xf32>
    %swap3A_33 = vector.shape_cast %broadcast_in_dim3A_29 : vector<16xf32> to vector<16xf32>
    tpu.vector_store %arg5[%swap3A_30], %swap3A_33 {strides = array<i32>} : memref<128xf32, #tpu.memory_space<vmem>>, vector<16xf32>,
    %broadcast_in_dim3A_34 = arith.constant 1.000000e+00 : f32
    %broadcast_in_dim3A_35 = vector.broadcast %broadcast_in_dim3A_34 : f32 to vector<16xf32>
    %swap3A_36 = arith.constant 96 : index
    %swap3A_37 = tpu.vector_load %arg5[%swap3A_36] {strides = array<i32>} : memref<128xf32, #tpu.memory_space<vmem>>, vector<16xf32>,
    %swap3A_38 = vector.shape_cast %swap3A_37 : vector<16xf32> to vector<16xf32>
    %swap3A_39 = vector.shape_cast %broadcast_in_dim3A_35 : vector<16xf32> to vector<16xf32>
    tpu.vector_store %arg5[%swap3A_36], %swap3A_39 {strides = array<i32>} : memref<128xf32, #tpu.memory_space<vmem>>, vector<16xf32>,
    %broadcast_in_dim3A_40 = arith.constant 1.000000e+00 : f32
    %broadcast_in_dim3A_41 = vector.broadcast %broadcast_in_dim3A_40 : f32 to vector<16xf32>
    %swap3A_42 = arith.constant 112 : index
    %swap3A_43 = tpu.vector_load %arg5[%swap3A_42] {strides = array<i32>} : memref<128xf32, #tpu.memory_space<vmem>>, vector<16xf32>,
    %swap3A_44 = vector.shape_cast %swap3A_43 : vector<16xf32> to vector<16xf32>
    %swap3A_45 = vector.shape_cast %broadcast_in_dim3A_41 : vector<16xf32> to vector<16xf32>
    tpu.vector_store %arg5[%swap3A_42], %swap3A_45 {strides = array<i32>} : memref<128xf32, #tpu.memory_space<vmem>>, vector<16xf32>,
    %scan3A = arith.constant 0 : i32
    %scan3A_46 = arith.constant 0 : i32
    %scan3A_47 = arith.constant 40 : i32
    %scan3A_48 = arith.addi %scan3A_46, %scan3A_47 : i32
    %scan3A_49 = arith.constant 1 : i32
    scf.for %scan3A_63 = %scan3A_46 to %scan3A_48 step %scan3A_49  : i32 {
      %broadcast_in_dim3A_64 = arith.constant 0.000000e+00 : f32
      %broadcast_in_dim3A_65 = vector.broadcast %broadcast_in_dim3A_64 : f32 to vector<16xf32>
      %mul3A_66 = arith.constant 16 : i32
      %mul3A_67 = arith.muli %scan3A_63, %mul3A_66 : i32
      %swap3A_68 = arith.index_cast %mul3A_67 : i32 to index
      %swap3A_69 = tpu.vector_load %arg6[%swap3A_68] {strides = array<i32>} : memref<640xf32, #tpu.memory_space<vmem>>, vector<16xf32>,
      %swap3A_70 = vector.shape_cast %swap3A_69 : vector<16xf32> to vector<16xf32>
      %swap3A_71 = vector.shape_cast %broadcast_in_dim3A_65 : vector<16xf32> to vector<16xf32>
      tpu.vector_store %arg6[%swap3A_68], %swap3A_71 {strides = array<i32>} : memref<640xf32, #tpu.memory_space<vmem>>, vector<16xf32>,
    }
    %scan3A_50 = arith.constant 40 : i32
    %mul3A = arith.constant 640 : i32
    %mul3A_51 = arith.muli %arg1, %mul3A : i32
    "tpu.region"() ({
      %run_scoped3A = tpu.sem_alloc : memref<!tpu.dma_semaphore, #tpu.memory_space<semaphore_mem>>
      %dma_start3A = tpu.memref_slice %arg7[%mul3A_51] : memref<10240xf32, #tpu.memory_space<vmem_shared>> -> memref<640xf32, #tpu.memory_space<vmem_shared>>
      %dma_start3A_63 = tpu.memref_slice %arg7[%mul3A_51] : memref<10240xf32, #tpu.memory_space<vmem_shared>> -> memref<640xf32, #tpu.memory_space<vmem_shared>>
      tpu.enqueue_dma source(%arg6 : memref<640xf32, #tpu.memory_space<vmem>>) target(%dma_start3A_63 : memref<640xf32, #tpu.memory_space<vmem_shared>>) target_semaphore(%run_scoped3A : memref<!tpu.dma_semaphore, #tpu.memory_space<semaphore_mem>>)
      %dma_wait3A = tpu.memref_slice %arg7[%mul3A_51] : memref<10240xf32, #tpu.memory_space<vmem_shared>> -> memref<640xf32, #tpu.memory_space<vmem_shared>>
      %dma_wait3A_64 = tpu.memref_slice %arg7[%mul3A_51] : memref<10240xf32, #tpu.memory_space<vmem_shared>> -> memref<640xf32, #tpu.memory_space<vmem_shared>>
      tpu.wait_dma2 semaphore(%run_scoped3A : memref<!tpu.dma_semaphore, #tpu.memory_space<semaphore_mem>>) src(%arg6 : memref<640xf32, #tpu.memory_space<vmem>>) dst(%dma_wait3A_64 : memref<640xf32, #tpu.memory_space<vmem_shared>>)
      tpu.yield
    }) : () -> ()
    %barrier3A = arith.constant 0 : index
    tpu.barrier barrier_id(%barrier3A)
    %mul3A_52 = arith.constant 80 : i32
    %mul3A_53 = arith.muli %arg1, %mul3A_52 : i32
    "tpu.region"() ({
      %run_scoped3A = tpu.sem_alloc : memref<!tpu.dma_semaphore, #tpu.memory_space<semaphore_mem>>
      %dma_start3A = arith.constant 0 : i32
      %dma_start3A_63 = tpu.memref_slice %arg2[%mul3A_53, %dma_start3A] : memref<1280x128xi32, #tpu.memory_space<hbm>> -> memref<80x128xi32, #tpu.memory_space<hbm>>
      %dma_start3A_64 = arith.constant 0 : i32
      %dma_start3A_65 = tpu.memref_slice %arg2[%mul3A_53, %dma_start3A_64] : memref<1280x128xi32, #tpu.memory_space<hbm>> -> memref<80x128xi32, #tpu.memory_space<hbm>>
      tpu.enqueue_dma source(%dma_start3A_65 : memref<80x128xi32, #tpu.memory_space<hbm>>) target(%arg4 : memref<80x128xi32, #tpu.memory_space<vmem>>) target_semaphore(%run_scoped3A : memref<!tpu.dma_semaphore, #tpu.memory_space<semaphore_mem>>)
      %dma_wait3A = arith.constant 0 : i32
      %dma_wait3A_66 = tpu.memref_slice %arg2[%mul3A_53, %dma_wait3A] : memref<1280x128xi32, #tpu.memory_space<hbm>> -> memref<80x128xi32, #tpu.memory_space<hbm>>
      %dma_wait3A_67 = arith.constant 0 : i32
      %dma_wait3A_68 = tpu.memref_slice %arg2[%mul3A_53, %dma_wait3A_67] : memref<1280x128xi32, #tpu.memory_space<hbm>> -> memref<80x128xi32, #tpu.memory_space<hbm>>
      tpu.wait_dma2 semaphore(%run_scoped3A : memref<!tpu.dma_semaphore, #tpu.memory_space<semaphore_mem>>) src(%dma_wait3A_68 : memref<80x128xi32, #tpu.memory_space<hbm>>) dst(%arg4 : memref<80x128xi32, #tpu.memory_space<vmem>>)
      tpu.yield
    }) : () -> ()
    %scan3A_54 = arith.constant 0 : i32
    %scan3A_55 = arith.constant 0 : i32
    %scan3A_56 = arith.constant 80 : i32
    %scan3A_57 = arith.addi %scan3A_55, %scan3A_56 : i32
    %scan3A_58 = arith.constant 1 : i32
    scf.for %scan3A_63 = %scan3A_55 to %scan3A_57 step %scan3A_58  : i32 {
      "tpu.region"() ({
        %run_scoped3A = tpu.sem_alloc : memref<!tpu.dma_semaphore, #tpu.memory_space<semaphore_mem>>
        %dma_start3A = arith.constant 0 : i32
        %dma_start3A_64 = tpu.memref_slice %arg4[%scan3A_63, %dma_start3A] : memref<80x128xi32, #tpu.memory_space<vmem>> -> memref<1x128xi32, #tpu.memory_space<vmem>>
        %dma_start3A_65 = tpu.memref_squeeze %dma_start3A_64 : memref<1x128xi32, #tpu.memory_space<vmem>> -> memref<128xi32, #tpu.memory_space<vmem>>
        %dma_start3A_66 = arith.constant 0 : i32
        %dma_start3A_67 = tpu.memref_slice %arg7[%dma_start3A_66] : memref<10240xf32, #tpu.memory_space<vmem_shared>> -> memref<10240xf32, #tpu.memory_space<vmem_shared>>
        tpu.enqueue_indirect_dma source(%arg5 : memref<128xf32, #tpu.memory_space<vmem>>) target(%dma_start3A_67 : memref<10240xf32, #tpu.memory_space<vmem_shared>>) offsets(%dma_start3A_65 : memref<128xi32, #tpu.memory_space<vmem>>) semaphore(%run_scoped3A : memref<!tpu.dma_semaphore, #tpu.memory_space<semaphore_mem>>) {add = true}
        %dma_wait3A = arith.constant 0 : i32
        %dma_wait3A_68 = tpu.memref_slice %arg4[%scan3A_63, %dma_wait3A] : memref<80x128xi32, #tpu.memory_space<vmem>> -> memref<1x128xi32, #tpu.memory_space<vmem>>
        %dma_wait3A_69 = tpu.memref_squeeze %dma_wait3A_68 : memref<1x128xi32, #tpu.memory_space<vmem>> -> memref<128xi32, #tpu.memory_space<vmem>>
        %dma_wait3A_70 = arith.constant 0 : i32
        %dma_wait3A_71 = tpu.memref_slice %arg7[%dma_wait3A_70] : memref<10240xf32, #tpu.memory_space<vmem_shared>> -> memref<10240xf32, #tpu.memory_space<vmem_shared>>
        tpu.wait_indirect_dma semaphore(%run_scoped3A : memref<!tpu.dma_semaphore, #tpu.memory_space<semaphore_mem>>) src(%arg5 : memref<128xf32, #tpu.memory_space<vmem>>) dst(%dma_wait3A_71 : memref<10240xf32, #tpu.memory_space<vmem_shared>>)
        tpu.yield
      }) : () -> ()
    }
    %scan3A_59 = arith.constant 80 : i32
    %barrier3A_60 = arith.constant 0 : index
    tpu.barrier barrier_id(%barrier3A_60)
    %eq3A = arith.constant 0 : i32
    %eq3A_61 = arith.cmpi eq, %arg0, %eq3A : i32
    %convert_element_type3A = arith.extui %eq3A_61 : i1 to i32
    %cond3A = arith.constant 0 : i32
    %cond3A_62 = arith.cmpi ne, %convert_element_type3A, %cond3A : i32
    scf.if %cond3A_62 {
      %mul3A_63 = arith.constant 640 : i32
      %mul3A_64 = arith.muli %arg1, %mul3A_63 : i32
      %mul3A_65 = arith.constant 640 : i32
      %mul3A_66 = arith.muli %arg1, %mul3A_65 : i32
      "tpu.region"() ({
        %run_scoped3A = tpu.sem_alloc : memref<!tpu.dma_semaphore, #tpu.memory_space<semaphore_mem>>
        %dma_start3A = tpu.memref_slice %arg3[%mul3A_66] : memref<10240xf32, #tpu.memory_space<hbm>> -> memref<640xf32, #tpu.memory_space<hbm>>
        %dma_start3A_67 = tpu.memref_slice %arg7[%mul3A_64] : memref<10240xf32, #tpu.memory_space<vmem_shared>> -> memref<640xf32, #tpu.memory_space<vmem_shared>>
        tpu.enqueue_dma source(%dma_start3A_67 : memref<640xf32, #tpu.memory_space<vmem_shared>>) target(%dma_start3A : memref<640xf32, #tpu.memory_space<hbm>>) target_semaphore(%run_scoped3A : memref<!tpu.dma_semaphore, #tpu.memory_space<semaphore_mem>>)
        %dma_wait3A = tpu.memref_slice %arg3[%mul3A_66] : memref<10240xf32, #tpu.memory_space<hbm>> -> memref<640xf32, #tpu.memory_space<hbm>>
        %dma_wait3A_68 = tpu.memref_slice %arg7[%mul3A_64] : memref<10240xf32, #tpu.memory_space<vmem_shared>> -> memref<640xf32, #tpu.memory_space<vmem_shared>>
        tpu.wait_dma2 semaphore(%run_scoped3A : memref<!tpu.dma_semaphore, #tpu.memory_space<semaphore_mem>>) src(%dma_wait3A_68 : memref<640xf32, #tpu.memory_space<vmem_shared>>) dst(%dma_wait3A : memref<640xf32, #tpu.memory_space<hbm>>)
        tpu.yield
      }) : () -> ()
    } else {
    }
    return
  }
}

#map = affine_map<(d0, d1) -> (0, 0)>
#map1 = affine_map<(d0, d1) -> (0, 0, 0)>
module attributes {stable_mosaic.version = 14 : i64} {
  func.func @_agg_kernel(%arg0: i32, %arg1: i32, %arg2: memref<20480x128xbf16, #tpu.memory_space<hbm>>, %arg3: memref<2x1280x128xi32, #tpu.memory_space<hbm>>, %arg4: memref<1280x128xi32, #tpu.memory_space<hbm>>, %arg5: memref<10240x128xbf16, #tpu.memory_space<hbm>>, %arg6: memref<2x10240x128xbf16, #tpu.memory_space<hbm>>, %arg7: memref<80x128xi32, #tpu.memory_space<vmem>>, %arg8: memref<80x128xi32, #tpu.memory_space<vmem>>, %arg9: memref<8x128x128xbf16, #tpu.memory_space<vmem>>, %arg10: memref<10240x128xbf16, #tpu.memory_space<vmem_shared>>, %arg11: memref<8x!tpu.dma_semaphore, #tpu.memory_space<semaphore_mem>>, %arg12: memref<8x!tpu.dma_semaphore, #tpu.memory_space<semaphore_mem>>) attributes {dimension_semantics = [#tpu.dimension_semantics<core_parallel>, #tpu.dimension_semantics<subcore_parallel>], iteration_bounds = array<i64: 2, 16>, scalar_prefetch = 0 : i64, scratch_operands = 6 : i64, tpu.core_type = #tpu.core_type<sc_vector_subcore>, window_params = [{transform_indices = #map}, {transform_indices = #map1}, {transform_indices = #map}, {transform_indices = #map}, {transform_indices = #map1}]} {
    %mul3A = arith.constant 80 : i32
    %mul3A_0 = arith.muli %arg1, %mul3A : i32
    "tpu.region"() ({
      %run_scoped3A = tpu.sem_alloc : memref<!tpu.dma_semaphore, #tpu.memory_space<semaphore_mem>>
      %dma_start3A = arith.constant 0 : i32
      %dma_start3A_17 = tpu.memref_slice %arg4[%mul3A_0, %dma_start3A] : memref<1280x128xi32, #tpu.memory_space<hbm>> -> memref<80x128xi32, #tpu.memory_space<hbm>>
      %dma_start3A_18 = arith.constant 0 : i32
      %dma_start3A_19 = tpu.memref_slice %arg4[%mul3A_0, %dma_start3A_18] : memref<1280x128xi32, #tpu.memory_space<hbm>> -> memref<80x128xi32, #tpu.memory_space<hbm>>
      tpu.enqueue_dma source(%dma_start3A_19 : memref<80x128xi32, #tpu.memory_space<hbm>>) target(%arg8 : memref<80x128xi32, #tpu.memory_space<vmem>>) target_semaphore(%run_scoped3A : memref<!tpu.dma_semaphore, #tpu.memory_space<semaphore_mem>>)
      %dma_wait3A = arith.constant 0 : i32
      %dma_wait3A_20 = tpu.memref_slice %arg4[%mul3A_0, %dma_wait3A] : memref<1280x128xi32, #tpu.memory_space<hbm>> -> memref<80x128xi32, #tpu.memory_space<hbm>>
      %dma_wait3A_21 = arith.constant 0 : i32
      %dma_wait3A_22 = tpu.memref_slice %arg4[%mul3A_0, %dma_wait3A_21] : memref<1280x128xi32, #tpu.memory_space<hbm>> -> memref<80x128xi32, #tpu.memory_space<hbm>>
      tpu.wait_dma2 semaphore(%run_scoped3A : memref<!tpu.dma_semaphore, #tpu.memory_space<semaphore_mem>>) src(%dma_wait3A_22 : memref<80x128xi32, #tpu.memory_space<hbm>>) dst(%arg8 : memref<80x128xi32, #tpu.memory_space<vmem>>)
      tpu.yield
    }) : () -> ()
    %mul3A_1 = arith.constant 640 : i32
    %mul3A_2 = arith.muli %arg1, %mul3A_1 : i32
    %mul3A_3 = arith.constant 640 : i32
    %mul3A_4 = arith.muli %arg1, %mul3A_3 : i32
    "tpu.region"() ({
      %run_scoped3A = tpu.sem_alloc : memref<!tpu.dma_semaphore, #tpu.memory_space<semaphore_mem>>
      %dma_start3A = arith.constant 0 : i32
      %dma_start3A_17 = tpu.memref_slice %arg10[%mul3A_4, %dma_start3A] : memref<10240x128xbf16, #tpu.memory_space<vmem_shared>> -> memref<640x128xbf16, #tpu.memory_space<vmem_shared>>
      %dma_start3A_18 = arith.constant 0 : i32
      %dma_start3A_19 = tpu.memref_slice %arg5[%mul3A_2, %dma_start3A_18] : memref<10240x128xbf16, #tpu.memory_space<hbm>> -> memref<640x128xbf16, #tpu.memory_space<hbm>>
      tpu.enqueue_dma source(%dma_start3A_19 : memref<640x128xbf16, #tpu.memory_space<hbm>>) target(%dma_start3A_17 : memref<640x128xbf16, #tpu.memory_space<vmem_shared>>) target_semaphore(%run_scoped3A : memref<!tpu.dma_semaphore, #tpu.memory_space<semaphore_mem>>)
      %dma_wait3A = arith.constant 0 : i32
      %dma_wait3A_20 = tpu.memref_slice %arg10[%mul3A_4, %dma_wait3A] : memref<10240x128xbf16, #tpu.memory_space<vmem_shared>> -> memref<640x128xbf16, #tpu.memory_space<vmem_shared>>
      %dma_wait3A_21 = arith.constant 0 : i32
      %dma_wait3A_22 = tpu.memref_slice %arg5[%mul3A_2, %dma_wait3A_21] : memref<10240x128xbf16, #tpu.memory_space<hbm>> -> memref<640x128xbf16, #tpu.memory_space<hbm>>
      tpu.wait_dma2 semaphore(%run_scoped3A : memref<!tpu.dma_semaphore, #tpu.memory_space<semaphore_mem>>) src(%dma_wait3A_22 : memref<640x128xbf16, #tpu.memory_space<hbm>>) dst(%dma_wait3A_20 : memref<640x128xbf16, #tpu.memory_space<vmem_shared>>)
      tpu.yield
    }) : () -> ()
    %mul3A_5 = arith.constant 80 : i32
    %mul3A_6 = arith.muli %arg1, %mul3A_5 : i32
    "tpu.region"() ({
      %run_scoped3A = tpu.sem_alloc : memref<!tpu.dma_semaphore, #tpu.memory_space<semaphore_mem>>
      %dma_start3A = arith.constant 0 : i32
      %dma_start3A_17 = tpu.memref_slice %arg3[%arg0, %mul3A_6, %dma_start3A] : memref<2x1280x128xi32, #tpu.memory_space<hbm>> -> memref<1x80x128xi32, #tpu.memory_space<hbm>>
      %dma_start3A_18 = tpu.memref_squeeze %dma_start3A_17 : memref<1x80x128xi32, #tpu.memory_space<hbm>> -> memref<80x128xi32, #tpu.memory_space<hbm>>
      %dma_start3A_19 = arith.constant 0 : i32
      %dma_start3A_20 = tpu.memref_slice %arg3[%arg0, %mul3A_6, %dma_start3A_19] : memref<2x1280x128xi32, #tpu.memory_space<hbm>> -> memref<1x80x128xi32, #tpu.memory_space<hbm>>
      %dma_start3A_21 = tpu.memref_squeeze %dma_start3A_20 : memref<1x80x128xi32, #tpu.memory_space<hbm>> -> memref<80x128xi32, #tpu.memory_space<hbm>>
      tpu.enqueue_dma source(%dma_start3A_21 : memref<80x128xi32, #tpu.memory_space<hbm>>) target(%arg7 : memref<80x128xi32, #tpu.memory_space<vmem>>) target_semaphore(%run_scoped3A : memref<!tpu.dma_semaphore, #tpu.memory_space<semaphore_mem>>)
      %dma_wait3A = arith.constant 0 : i32
      %dma_wait3A_22 = tpu.memref_slice %arg3[%arg0, %mul3A_6, %dma_wait3A] : memref<2x1280x128xi32, #tpu.memory_space<hbm>> -> memref<1x80x128xi32, #tpu.memory_space<hbm>>
      %dma_wait3A_23 = tpu.memref_squeeze %dma_wait3A_22 : memref<1x80x128xi32, #tpu.memory_space<hbm>> -> memref<80x128xi32, #tpu.memory_space<hbm>>
      %dma_wait3A_24 = arith.constant 0 : i32
      %dma_wait3A_25 = tpu.memref_slice %arg3[%arg0, %mul3A_6, %dma_wait3A_24] : memref<2x1280x128xi32, #tpu.memory_space<hbm>> -> memref<1x80x128xi32, #tpu.memory_space<hbm>>
      %dma_wait3A_26 = tpu.memref_squeeze %dma_wait3A_25 : memref<1x80x128xi32, #tpu.memory_space<hbm>> -> memref<80x128xi32, #tpu.memory_space<hbm>>
      tpu.wait_dma2 semaphore(%run_scoped3A : memref<!tpu.dma_semaphore, #tpu.memory_space<semaphore_mem>>) src(%dma_wait3A_26 : memref<80x128xi32, #tpu.memory_space<hbm>>) dst(%arg7 : memref<80x128xi32, #tpu.memory_space<vmem>>)
      tpu.yield
    }) : () -> ()
    %barrier3A = arith.constant 0 : index
    tpu.barrier barrier_id(%barrier3A)
    %scan3A = arith.constant 0 : i32
    %scan3A_7 = arith.constant 0 : i32
    %scan3A_8 = arith.constant 88 : i32
    %scan3A_9 = arith.addi %scan3A_7, %scan3A_8 : i32
    %scan3A_10 = arith.constant 1 : i32
    scf.for %scan3A_17 = %scan3A_7 to %scan3A_9 step %scan3A_10  : i32 {
      %rem3A = arith.constant 8 : i32
      %rem3A_18 = arith.remsi %scan3A_17, %rem3A : i32
      %ge3A = arith.constant 8 : i32
      %ge3A_19 = arith.cmpi sge, %scan3A_17, %ge3A : i32
      %sub3A = arith.constant 8 : i32
      %sub3A_20 = arith.subi %scan3A_17, %sub3A : i32
      %lt3A = arith.constant 80 : i32
      %lt3A_21 = arith.cmpi slt, %sub3A_20, %lt3A : i32
      %and3A = arith.andi %ge3A_19, %lt3A_21 : i1
      %convert_element_type3A = arith.extui %and3A : i1 to i32
      %cond3A = arith.constant 0 : i32
      %cond3A_22 = arith.cmpi ne, %convert_element_type3A, %cond3A : i32
      scf.if %cond3A_22 {
        %rem3A_43 = arith.constant 80 : i32
        %rem3A_44 = arith.remsi %scan3A_17, %rem3A_43 : i32
        %dma_wait3A = arith.constant 0 : i32
        %dma_wait3A_45 = arith.constant 0 : i32
        %dma_wait3A_46 = tpu.memref_slice %arg9[%rem3A_18, %dma_wait3A, %dma_wait3A_45] : memref<8x128x128xbf16, #tpu.memory_space<vmem>> -> memref<1x128x128xbf16, #tpu.memory_space<vmem>>
        %dma_wait3A_47 = tpu.memref_squeeze %dma_wait3A_46 : memref<1x128x128xbf16, #tpu.memory_space<vmem>> -> memref<128x128xbf16, #tpu.memory_space<vmem>>
        %dma_wait3A_48 = arith.constant 0 : i32
        %dma_wait3A_49 = tpu.memref_slice %arg8[%rem3A_44, %dma_wait3A_48] : memref<80x128xi32, #tpu.memory_space<vmem>> -> memref<1x128xi32, #tpu.memory_space<vmem>>
        %dma_wait3A_50 = tpu.memref_squeeze %dma_wait3A_49 : memref<1x128xi32, #tpu.memory_space<vmem>> -> memref<128xi32, #tpu.memory_space<vmem>>
        %dma_wait3A_51 = arith.constant 0 : i32
        %dma_wait3A_52 = arith.constant 0 : i32
        %dma_wait3A_53 = tpu.memref_slice %arg10[%dma_wait3A_51, %dma_wait3A_52] : memref<10240x128xbf16, #tpu.memory_space<vmem_shared>> -> memref<10240x128xbf16, #tpu.memory_space<vmem_shared>>
        %dma_wait3A_54 = tpu.memref_slice %arg12[%rem3A_18] : memref<8x!tpu.dma_semaphore, #tpu.memory_space<semaphore_mem>> -> memref<1x!tpu.dma_semaphore, #tpu.memory_space<semaphore_mem>>
        %dma_wait3A_55 = tpu.memref_squeeze %dma_wait3A_54 : memref<1x!tpu.dma_semaphore, #tpu.memory_space<semaphore_mem>> -> memref<!tpu.dma_semaphore, #tpu.memory_space<semaphore_mem>>
        tpu.wait_indirect_dma semaphore(%dma_wait3A_55 : memref<!tpu.dma_semaphore, #tpu.memory_space<semaphore_mem>>) src(%dma_wait3A_47 : memref<128x128xbf16, #tpu.memory_space<vmem>>) dst(%dma_wait3A_53 : memref<10240x128xbf16, #tpu.memory_space<vmem_shared>>)
      } else {
      }
      %lt3A_23 = arith.constant 80 : i32
      %lt3A_24 = arith.cmpi slt, %scan3A_17, %lt3A_23 : i32
      %convert_element_type3A_25 = arith.extui %lt3A_24 : i1 to i32
      %cond3A_26 = arith.constant 0 : i32
      %cond3A_27 = arith.cmpi ne, %convert_element_type3A_25, %cond3A_26 : i32
      scf.if %cond3A_27 {
        %dma_start3A = arith.constant 0 : i32
        %dma_start3A_43 = arith.constant 0 : i32
        %dma_start3A_44 = tpu.memref_slice %arg9[%rem3A_18, %dma_start3A, %dma_start3A_43] : memref<8x128x128xbf16, #tpu.memory_space<vmem>> -> memref<1x128x128xbf16, #tpu.memory_space<vmem>>
        %dma_start3A_45 = tpu.memref_squeeze %dma_start3A_44 : memref<1x128x128xbf16, #tpu.memory_space<vmem>> -> memref<128x128xbf16, #tpu.memory_space<vmem>>
        %dma_start3A_46 = arith.constant 0 : i32
        %dma_start3A_47 = tpu.memref_slice %arg7[%scan3A_17, %dma_start3A_46] : memref<80x128xi32, #tpu.memory_space<vmem>> -> memref<1x128xi32, #tpu.memory_space<vmem>>
        %dma_start3A_48 = tpu.memref_squeeze %dma_start3A_47 : memref<1x128xi32, #tpu.memory_space<vmem>> -> memref<128xi32, #tpu.memory_space<vmem>>
        %dma_start3A_49 = arith.constant 0 : i32
        %dma_start3A_50 = arith.constant 0 : i32
        %dma_start3A_51 = tpu.memref_slice %arg2[%dma_start3A_49, %dma_start3A_50] : memref<20480x128xbf16, #tpu.memory_space<hbm>> -> memref<20480x128xbf16, #tpu.memory_space<hbm>>
        %dma_start3A_52 = tpu.memref_slice %arg11[%rem3A_18] : memref<8x!tpu.dma_semaphore, #tpu.memory_space<semaphore_mem>> -> memref<1x!tpu.dma_semaphore, #tpu.memory_space<semaphore_mem>>
        %dma_start3A_53 = tpu.memref_squeeze %dma_start3A_52 : memref<1x!tpu.dma_semaphore, #tpu.memory_space<semaphore_mem>> -> memref<!tpu.dma_semaphore, #tpu.memory_space<semaphore_mem>>
        tpu.enqueue_indirect_dma source(%dma_start3A_51 : memref<20480x128xbf16, #tpu.memory_space<hbm>>) target(%dma_start3A_45 : memref<128x128xbf16, #tpu.memory_space<vmem>>) offsets(%dma_start3A_48 : memref<128xi32, #tpu.memory_space<vmem>>) semaphore(%dma_start3A_53 : memref<!tpu.dma_semaphore, #tpu.memory_space<semaphore_mem>>)
      } else {
      }
      %sub3A_28 = arith.constant 4 : i32
      %sub3A_29 = arith.subi %scan3A_17, %sub3A_28 : i32
      %add3A = arith.constant 8 : i32
      %add3A_30 = arith.addi %scan3A_17, %add3A : i32
      %sub3A_31 = arith.constant 4 : i32
      %sub3A_32 = arith.subi %add3A_30, %sub3A_31 : i32
      %rem3A_33 = arith.constant 8 : i32
      %rem3A_34 = arith.remsi %sub3A_32, %rem3A_33 : i32
      %ge3A_35 = arith.constant 0 : i32
      %ge3A_36 = arith.cmpi sge, %sub3A_29, %ge3A_35 : i32
      %lt3A_37 = arith.constant 80 : i32
      %lt3A_38 = arith.cmpi slt, %sub3A_29, %lt3A_37 : i32
      %and3A_39 = arith.andi %ge3A_36, %lt3A_38 : i1
      %convert_element_type3A_40 = arith.extui %and3A_39 : i1 to i32
      %cond3A_41 = arith.constant 0 : i32
      %cond3A_42 = arith.cmpi ne, %convert_element_type3A_40, %cond3A_41 : i32
      scf.if %cond3A_42 {
        %dma_wait3A = arith.constant 0 : i32
        %dma_wait3A_43 = arith.constant 0 : i32
        %dma_wait3A_44 = tpu.memref_slice %arg9[%rem3A_34, %dma_wait3A, %dma_wait3A_43] : memref<8x128x128xbf16, #tpu.memory_space<vmem>> -> memref<1x128x128xbf16, #tpu.memory_space<vmem>>
        %dma_wait3A_45 = tpu.memref_squeeze %dma_wait3A_44 : memref<1x128x128xbf16, #tpu.memory_space<vmem>> -> memref<128x128xbf16, #tpu.memory_space<vmem>>
        %dma_wait3A_46 = arith.constant 0 : i32
        %dma_wait3A_47 = arith.constant 0 : i32
        %dma_wait3A_48 = tpu.memref_slice %arg2[%dma_wait3A_46, %dma_wait3A_47] : memref<20480x128xbf16, #tpu.memory_space<hbm>> -> memref<128x128xbf16, #tpu.memory_space<hbm>>
        %dma_wait3A_49 = tpu.memref_slice %arg11[%rem3A_34] : memref<8x!tpu.dma_semaphore, #tpu.memory_space<semaphore_mem>> -> memref<1x!tpu.dma_semaphore, #tpu.memory_space<semaphore_mem>>
        %dma_wait3A_50 = tpu.memref_squeeze %dma_wait3A_49 : memref<1x!tpu.dma_semaphore, #tpu.memory_space<semaphore_mem>> -> memref<!tpu.dma_semaphore, #tpu.memory_space<semaphore_mem>>
        %dma_wait3A_51 = arith.constant 0 : i32
        %dma_wait3A_52 = arith.constant 0 : i32
        %dma_wait3A_53 = tpu.memref_slice %arg9[%rem3A_34, %dma_wait3A_51, %dma_wait3A_52] : memref<8x128x128xbf16, #tpu.memory_space<vmem>> -> memref<1x128x128xbf16, #tpu.memory_space<vmem>>
        %dma_wait3A_54 = tpu.memref_squeeze %dma_wait3A_53 : memref<1x128x128xbf16, #tpu.memory_space<vmem>> -> memref<128x128xbf16, #tpu.memory_space<vmem>>
        %dma_wait3A_55 = arith.constant 0 : i32
        %dma_wait3A_56 = arith.constant 0 : i32
        %dma_wait3A_57 = tpu.memref_slice %arg2[%dma_wait3A_55, %dma_wait3A_56] : memref<20480x128xbf16, #tpu.memory_space<hbm>> -> memref<128x128xbf16, #tpu.memory_space<hbm>>
        tpu.wait_dma2 semaphore(%dma_wait3A_50 : memref<!tpu.dma_semaphore, #tpu.memory_space<semaphore_mem>>) src(%dma_wait3A_57 : memref<128x128xbf16, #tpu.memory_space<hbm>>) dst(%dma_wait3A_54 : memref<128x128xbf16, #tpu.memory_space<vmem>>)
        %dma_start3A = arith.constant 0 : i32
        %dma_start3A_58 = arith.constant 0 : i32
        %dma_start3A_59 = tpu.memref_slice %arg9[%rem3A_34, %dma_start3A, %dma_start3A_58] : memref<8x128x128xbf16, #tpu.memory_space<vmem>> -> memref<1x128x128xbf16, #tpu.memory_space<vmem>>
        %dma_start3A_60 = tpu.memref_squeeze %dma_start3A_59 : memref<1x128x128xbf16, #tpu.memory_space<vmem>> -> memref<128x128xbf16, #tpu.memory_space<vmem>>
        %dma_start3A_61 = arith.constant 0 : i32
        %dma_start3A_62 = tpu.memref_slice %arg8[%sub3A_29, %dma_start3A_61] : memref<80x128xi32, #tpu.memory_space<vmem>> -> memref<1x128xi32, #tpu.memory_space<vmem>>
        %dma_start3A_63 = tpu.memref_squeeze %dma_start3A_62 : memref<1x128xi32, #tpu.memory_space<vmem>> -> memref<128xi32, #tpu.memory_space<vmem>>
        %dma_start3A_64 = arith.constant 0 : i32
        %dma_start3A_65 = arith.constant 0 : i32
        %dma_start3A_66 = tpu.memref_slice %arg10[%dma_start3A_64, %dma_start3A_65] : memref<10240x128xbf16, #tpu.memory_space<vmem_shared>> -> memref<10240x128xbf16, #tpu.memory_space<vmem_shared>>
        %dma_start3A_67 = tpu.memref_slice %arg12[%rem3A_34] : memref<8x!tpu.dma_semaphore, #tpu.memory_space<semaphore_mem>> -> memref<1x!tpu.dma_semaphore, #tpu.memory_space<semaphore_mem>>
        %dma_start3A_68 = tpu.memref_squeeze %dma_start3A_67 : memref<1x!tpu.dma_semaphore, #tpu.memory_space<semaphore_mem>> -> memref<!tpu.dma_semaphore, #tpu.memory_space<semaphore_mem>>
        tpu.enqueue_indirect_dma source(%dma_start3A_60 : memref<128x128xbf16, #tpu.memory_space<vmem>>) target(%dma_start3A_66 : memref<10240x128xbf16, #tpu.memory_space<vmem_shared>>) offsets(%dma_start3A_63 : memref<128xi32, #tpu.memory_space<vmem>>) semaphore(%dma_start3A_68 : memref<!tpu.dma_semaphore, #tpu.memory_space<semaphore_mem>>) {add = true}
      } else {
      }
    }
    %scan3A_11 = arith.constant 88 : i32
    %barrier3A_12 = arith.constant 0 : index
    tpu.barrier barrier_id(%barrier3A_12)
    %mul3A_13 = arith.constant 640 : i32
    %mul3A_14 = arith.muli %arg1, %mul3A_13 : i32
    %mul3A_15 = arith.constant 640 : i32
    %mul3A_16 = arith.muli %arg1, %mul3A_15 : i32
    "tpu.region"() ({
      %run_scoped3A = tpu.sem_alloc : memref<!tpu.dma_semaphore, #tpu.memory_space<semaphore_mem>>
      %dma_start3A = arith.constant 0 : i32
      %dma_start3A_17 = tpu.memref_slice %arg6[%arg0, %mul3A_16, %dma_start3A] : memref<2x10240x128xbf16, #tpu.memory_space<hbm>> -> memref<1x640x128xbf16, #tpu.memory_space<hbm>>
      %dma_start3A_18 = tpu.memref_squeeze %dma_start3A_17 : memref<1x640x128xbf16, #tpu.memory_space<hbm>> -> memref<640x128xbf16, #tpu.memory_space<hbm>>
      %dma_start3A_19 = arith.constant 0 : i32
      %dma_start3A_20 = tpu.memref_slice %arg10[%mul3A_14, %dma_start3A_19] : memref<10240x128xbf16, #tpu.memory_space<vmem_shared>> -> memref<640x128xbf16, #tpu.memory_space<vmem_shared>>
      tpu.enqueue_dma source(%dma_start3A_20 : memref<640x128xbf16, #tpu.memory_space<vmem_shared>>) target(%dma_start3A_18 : memref<640x128xbf16, #tpu.memory_space<hbm>>) target_semaphore(%run_scoped3A : memref<!tpu.dma_semaphore, #tpu.memory_space<semaphore_mem>>)
      %dma_wait3A = arith.constant 0 : i32
      %dma_wait3A_21 = tpu.memref_slice %arg6[%arg0, %mul3A_16, %dma_wait3A] : memref<2x10240x128xbf16, #tpu.memory_space<hbm>> -> memref<1x640x128xbf16, #tpu.memory_space<hbm>>
      %dma_wait3A_22 = tpu.memref_squeeze %dma_wait3A_21 : memref<1x640x128xbf16, #tpu.memory_space<hbm>> -> memref<640x128xbf16, #tpu.memory_space<hbm>>
      %dma_wait3A_23 = arith.constant 0 : i32
      %dma_wait3A_24 = tpu.memref_slice %arg10[%mul3A_14, %dma_wait3A_23] : memref<10240x128xbf16, #tpu.memory_space<vmem_shared>> -> memref<640x128xbf16, #tpu.memory_space<vmem_shared>>
      tpu.wait_dma2 semaphore(%run_scoped3A : memref<!tpu.dma_semaphore, #tpu.memory_space<semaphore_mem>>) src(%dma_wait3A_24 : memref<640x128xbf16, #tpu.memory_space<vmem_shared>>) dst(%dma_wait3A_22 : memref<640x128xbf16, #tpu.memory_space<hbm>>)
      tpu.yield
    }) : () -> ()
    return
  }
}

#map = affine_map<(d0, d1) -> (0, 0)>
#map1 = affine_map<(d0, d1) -> (0, 0, 0)>
module attributes {stable_mosaic.version = 14 : i64} {
  func.func @_agg_kernel(%arg0: i32, %arg1: i32, %arg2: memref<20480x128xbf16, #tpu.memory_space<hbm>>, %arg3: memref<2x1280x128xi32, #tpu.memory_space<hbm>>, %arg4: memref<1280x128xi32, #tpu.memory_space<hbm>>, %arg5: memref<10240x128xbf16, #tpu.memory_space<hbm>>, %arg6: memref<2x10240x128xbf16, #tpu.memory_space<hbm>>, %arg7: memref<80x128xi32, #tpu.memory_space<vmem>>, %arg8: memref<80x128xi32, #tpu.memory_space<vmem>>, %arg9: memref<8x128x128xbf16, #tpu.memory_space<vmem>>, %arg10: memref<10240x128xbf16, #tpu.memory_space<vmem_shared>>, %arg11: memref<8x!tpu.dma_semaphore, #tpu.memory_space<semaphore_mem>>, %arg12: memref<8x!tpu.dma_semaphore, #tpu.memory_space<semaphore_mem>>) attributes {dimension_semantics = [#tpu.dimension_semantics<core_parallel>, #tpu.dimension_semantics<subcore_parallel>], iteration_bounds = array<i64: 2, 16>, scalar_prefetch = 0 : i64, scratch_operands = 6 : i64, tpu.core_type = #tpu.core_type<sc_vector_subcore>, window_params = [{transform_indices = #map}, {transform_indices = #map1}, {transform_indices = #map}, {transform_indices = #map}, {transform_indices = #map1}]} {
    %mul3A = arith.constant 80 : i32
    %mul3A_0 = arith.muli %arg1, %mul3A : i32
    "tpu.region"() ({
      %run_scoped3A = tpu.sem_alloc : memref<!tpu.dma_semaphore, #tpu.memory_space<semaphore_mem>>
      %dma_start3A = arith.constant 0 : i32
      %dma_start3A_17 = tpu.memref_slice %arg4[%mul3A_0, %dma_start3A] : memref<1280x128xi32, #tpu.memory_space<hbm>> -> memref<80x128xi32, #tpu.memory_space<hbm>>
      %dma_start3A_18 = arith.constant 0 : i32
      %dma_start3A_19 = tpu.memref_slice %arg4[%mul3A_0, %dma_start3A_18] : memref<1280x128xi32, #tpu.memory_space<hbm>> -> memref<80x128xi32, #tpu.memory_space<hbm>>
      tpu.enqueue_dma source(%dma_start3A_19 : memref<80x128xi32, #tpu.memory_space<hbm>>) target(%arg8 : memref<80x128xi32, #tpu.memory_space<vmem>>) target_semaphore(%run_scoped3A : memref<!tpu.dma_semaphore, #tpu.memory_space<semaphore_mem>>)
      %dma_wait3A = arith.constant 0 : i32
      %dma_wait3A_20 = tpu.memref_slice %arg4[%mul3A_0, %dma_wait3A] : memref<1280x128xi32, #tpu.memory_space<hbm>> -> memref<80x128xi32, #tpu.memory_space<hbm>>
      %dma_wait3A_21 = arith.constant 0 : i32
      %dma_wait3A_22 = tpu.memref_slice %arg4[%mul3A_0, %dma_wait3A_21] : memref<1280x128xi32, #tpu.memory_space<hbm>> -> memref<80x128xi32, #tpu.memory_space<hbm>>
      tpu.wait_dma2 semaphore(%run_scoped3A : memref<!tpu.dma_semaphore, #tpu.memory_space<semaphore_mem>>) src(%dma_wait3A_22 : memref<80x128xi32, #tpu.memory_space<hbm>>) dst(%arg8 : memref<80x128xi32, #tpu.memory_space<vmem>>)
      tpu.yield
    }) : () -> ()
    %mul3A_1 = arith.constant 640 : i32
    %mul3A_2 = arith.muli %arg1, %mul3A_1 : i32
    %mul3A_3 = arith.constant 640 : i32
    %mul3A_4 = arith.muli %arg1, %mul3A_3 : i32
    "tpu.region"() ({
      %run_scoped3A = tpu.sem_alloc : memref<!tpu.dma_semaphore, #tpu.memory_space<semaphore_mem>>
      %dma_start3A = arith.constant 0 : i32
      %dma_start3A_17 = tpu.memref_slice %arg10[%mul3A_4, %dma_start3A] : memref<10240x128xbf16, #tpu.memory_space<vmem_shared>> -> memref<640x128xbf16, #tpu.memory_space<vmem_shared>>
      %dma_start3A_18 = arith.constant 0 : i32
      %dma_start3A_19 = tpu.memref_slice %arg5[%mul3A_2, %dma_start3A_18] : memref<10240x128xbf16, #tpu.memory_space<hbm>> -> memref<640x128xbf16, #tpu.memory_space<hbm>>
      tpu.enqueue_dma source(%dma_start3A_19 : memref<640x128xbf16, #tpu.memory_space<hbm>>) target(%dma_start3A_17 : memref<640x128xbf16, #tpu.memory_space<vmem_shared>>) target_semaphore(%run_scoped3A : memref<!tpu.dma_semaphore, #tpu.memory_space<semaphore_mem>>)
      %dma_wait3A = arith.constant 0 : i32
      %dma_wait3A_20 = tpu.memref_slice %arg10[%mul3A_4, %dma_wait3A] : memref<10240x128xbf16, #tpu.memory_space<vmem_shared>> -> memref<640x128xbf16, #tpu.memory_space<vmem_shared>>
      %dma_wait3A_21 = arith.constant 0 : i32
      %dma_wait3A_22 = tpu.memref_slice %arg5[%mul3A_2, %dma_wait3A_21] : memref<10240x128xbf16, #tpu.memory_space<hbm>> -> memref<640x128xbf16, #tpu.memory_space<hbm>>
      tpu.wait_dma2 semaphore(%run_scoped3A : memref<!tpu.dma_semaphore, #tpu.memory_space<semaphore_mem>>) src(%dma_wait3A_22 : memref<640x128xbf16, #tpu.memory_space<hbm>>) dst(%dma_wait3A_20 : memref<640x128xbf16, #tpu.memory_space<vmem_shared>>)
      tpu.yield
    }) : () -> ()
    %mul3A_5 = arith.constant 80 : i32
    %mul3A_6 = arith.muli %arg1, %mul3A_5 : i32
    "tpu.region"() ({
      %run_scoped3A = tpu.sem_alloc : memref<!tpu.dma_semaphore, #tpu.memory_space<semaphore_mem>>
      %dma_start3A = arith.constant 0 : i32
      %dma_start3A_17 = tpu.memref_slice %arg3[%arg0, %mul3A_6, %dma_start3A] : memref<2x1280x128xi32, #tpu.memory_space<hbm>> -> memref<1x80x128xi32, #tpu.memory_space<hbm>>
      %dma_start3A_18 = tpu.memref_squeeze %dma_start3A_17 : memref<1x80x128xi32, #tpu.memory_space<hbm>> -> memref<80x128xi32, #tpu.memory_space<hbm>>
      %dma_start3A_19 = arith.constant 0 : i32
      %dma_start3A_20 = tpu.memref_slice %arg3[%arg0, %mul3A_6, %dma_start3A_19] : memref<2x1280x128xi32, #tpu.memory_space<hbm>> -> memref<1x80x128xi32, #tpu.memory_space<hbm>>
      %dma_start3A_21 = tpu.memref_squeeze %dma_start3A_20 : memref<1x80x128xi32, #tpu.memory_space<hbm>> -> memref<80x128xi32, #tpu.memory_space<hbm>>
      tpu.enqueue_dma source(%dma_start3A_21 : memref<80x128xi32, #tpu.memory_space<hbm>>) target(%arg7 : memref<80x128xi32, #tpu.memory_space<vmem>>) target_semaphore(%run_scoped3A : memref<!tpu.dma_semaphore, #tpu.memory_space<semaphore_mem>>)
      %dma_wait3A = arith.constant 0 : i32
      %dma_wait3A_22 = tpu.memref_slice %arg3[%arg0, %mul3A_6, %dma_wait3A] : memref<2x1280x128xi32, #tpu.memory_space<hbm>> -> memref<1x80x128xi32, #tpu.memory_space<hbm>>
      %dma_wait3A_23 = tpu.memref_squeeze %dma_wait3A_22 : memref<1x80x128xi32, #tpu.memory_space<hbm>> -> memref<80x128xi32, #tpu.memory_space<hbm>>
      %dma_wait3A_24 = arith.constant 0 : i32
      %dma_wait3A_25 = tpu.memref_slice %arg3[%arg0, %mul3A_6, %dma_wait3A_24] : memref<2x1280x128xi32, #tpu.memory_space<hbm>> -> memref<1x80x128xi32, #tpu.memory_space<hbm>>
      %dma_wait3A_26 = tpu.memref_squeeze %dma_wait3A_25 : memref<1x80x128xi32, #tpu.memory_space<hbm>> -> memref<80x128xi32, #tpu.memory_space<hbm>>
      tpu.wait_dma2 semaphore(%run_scoped3A : memref<!tpu.dma_semaphore, #tpu.memory_space<semaphore_mem>>) src(%dma_wait3A_26 : memref<80x128xi32, #tpu.memory_space<hbm>>) dst(%arg7 : memref<80x128xi32, #tpu.memory_space<vmem>>)
      tpu.yield
    }) : () -> ()
    %barrier3A = arith.constant 0 : index
    tpu.barrier barrier_id(%barrier3A)
    %scan3A = arith.constant 0 : i32
    %scan3A_7 = arith.constant 0 : i32
    %scan3A_8 = arith.constant 88 : i32
    %scan3A_9 = arith.addi %scan3A_7, %scan3A_8 : i32
    %scan3A_10 = arith.constant 1 : i32
    scf.for %scan3A_17 = %scan3A_7 to %scan3A_9 step %scan3A_10  : i32 {
      %rem3A = arith.constant 8 : i32
      %rem3A_18 = arith.remsi %scan3A_17, %rem3A : i32
      %ge3A = arith.constant 8 : i32
      %ge3A_19 = arith.cmpi sge, %scan3A_17, %ge3A : i32
      %sub3A = arith.constant 8 : i32
      %sub3A_20 = arith.subi %scan3A_17, %sub3A : i32
      %lt3A = arith.constant 80 : i32
      %lt3A_21 = arith.cmpi slt, %sub3A_20, %lt3A : i32
      %and3A = arith.andi %ge3A_19, %lt3A_21 : i1
      %convert_element_type3A = arith.extui %and3A : i1 to i32
      %cond3A = arith.constant 0 : i32
      %cond3A_22 = arith.cmpi ne, %convert_element_type3A, %cond3A : i32
      scf.if %cond3A_22 {
        %rem3A_43 = arith.constant 80 : i32
        %rem3A_44 = arith.remsi %scan3A_17, %rem3A_43 : i32
        %dma_wait3A = arith.constant 0 : i32
        %dma_wait3A_45 = arith.constant 0 : i32
        %dma_wait3A_46 = tpu.memref_slice %arg9[%rem3A_18, %dma_wait3A, %dma_wait3A_45] : memref<8x128x128xbf16, #tpu.memory_space<vmem>> -> memref<1x128x128xbf16, #tpu.memory_space<vmem>>
        %dma_wait3A_47 = tpu.memref_squeeze %dma_wait3A_46 : memref<1x128x128xbf16, #tpu.memory_space<vmem>> -> memref<128x128xbf16, #tpu.memory_space<vmem>>
        %dma_wait3A_48 = arith.constant 0 : i32
        %dma_wait3A_49 = tpu.memref_slice %arg8[%rem3A_44, %dma_wait3A_48] : memref<80x128xi32, #tpu.memory_space<vmem>> -> memref<1x128xi32, #tpu.memory_space<vmem>>
        %dma_wait3A_50 = tpu.memref_squeeze %dma_wait3A_49 : memref<1x128xi32, #tpu.memory_space<vmem>> -> memref<128xi32, #tpu.memory_space<vmem>>
        %dma_wait3A_51 = arith.constant 0 : i32
        %dma_wait3A_52 = arith.constant 0 : i32
        %dma_wait3A_53 = tpu.memref_slice %arg10[%dma_wait3A_51, %dma_wait3A_52] : memref<10240x128xbf16, #tpu.memory_space<vmem_shared>> -> memref<10240x128xbf16, #tpu.memory_space<vmem_shared>>
        %dma_wait3A_54 = tpu.memref_slice %arg12[%rem3A_18] : memref<8x!tpu.dma_semaphore, #tpu.memory_space<semaphore_mem>> -> memref<1x!tpu.dma_semaphore, #tpu.memory_space<semaphore_mem>>
        %dma_wait3A_55 = tpu.memref_squeeze %dma_wait3A_54 : memref<1x!tpu.dma_semaphore, #tpu.memory_space<semaphore_mem>> -> memref<!tpu.dma_semaphore, #tpu.memory_space<semaphore_mem>>
        tpu.wait_indirect_dma semaphore(%dma_wait3A_55 : memref<!tpu.dma_semaphore, #tpu.memory_space<semaphore_mem>>) src(%dma_wait3A_47 : memref<128x128xbf16, #tpu.memory_space<vmem>>) dst(%dma_wait3A_53 : memref<10240x128xbf16, #tpu.memory_space<vmem_shared>>)
      } else {
      }
      %lt3A_23 = arith.constant 80 : i32
      %lt3A_24 = arith.cmpi slt, %scan3A_17, %lt3A_23 : i32
      %convert_element_type3A_25 = arith.extui %lt3A_24 : i1 to i32
      %cond3A_26 = arith.constant 0 : i32
      %cond3A_27 = arith.cmpi ne, %convert_element_type3A_25, %cond3A_26 : i32
      scf.if %cond3A_27 {
        %dma_start3A = arith.constant 0 : i32
        %dma_start3A_43 = arith.constant 0 : i32
        %dma_start3A_44 = tpu.memref_slice %arg9[%rem3A_18, %dma_start3A, %dma_start3A_43] : memref<8x128x128xbf16, #tpu.memory_space<vmem>> -> memref<1x128x128xbf16, #tpu.memory_space<vmem>>
        %dma_start3A_45 = tpu.memref_squeeze %dma_start3A_44 : memref<1x128x128xbf16, #tpu.memory_space<vmem>> -> memref<128x128xbf16, #tpu.memory_space<vmem>>
        %dma_start3A_46 = arith.constant 0 : i32
        %dma_start3A_47 = tpu.memref_slice %arg7[%scan3A_17, %dma_start3A_46] : memref<80x128xi32, #tpu.memory_space<vmem>> -> memref<1x128xi32, #tpu.memory_space<vmem>>
        %dma_start3A_48 = tpu.memref_squeeze %dma_start3A_47 : memref<1x128xi32, #tpu.memory_space<vmem>> -> memref<128xi32, #tpu.memory_space<vmem>>
        %dma_start3A_49 = arith.constant 0 : i32
        %dma_start3A_50 = arith.constant 0 : i32
        %dma_start3A_51 = tpu.memref_slice %arg2[%dma_start3A_49, %dma_start3A_50] : memref<20480x128xbf16, #tpu.memory_space<hbm>> -> memref<20480x128xbf16, #tpu.memory_space<hbm>>
        %dma_start3A_52 = tpu.memref_slice %arg11[%rem3A_18] : memref<8x!tpu.dma_semaphore, #tpu.memory_space<semaphore_mem>> -> memref<1x!tpu.dma_semaphore, #tpu.memory_space<semaphore_mem>>
        %dma_start3A_53 = tpu.memref_squeeze %dma_start3A_52 : memref<1x!tpu.dma_semaphore, #tpu.memory_space<semaphore_mem>> -> memref<!tpu.dma_semaphore, #tpu.memory_space<semaphore_mem>>
        tpu.enqueue_indirect_dma source(%dma_start3A_51 : memref<20480x128xbf16, #tpu.memory_space<hbm>>) target(%dma_start3A_45 : memref<128x128xbf16, #tpu.memory_space<vmem>>) offsets(%dma_start3A_48 : memref<128xi32, #tpu.memory_space<vmem>>) semaphore(%dma_start3A_53 : memref<!tpu.dma_semaphore, #tpu.memory_space<semaphore_mem>>)
      } else {
      }
      %sub3A_28 = arith.constant 4 : i32
      %sub3A_29 = arith.subi %scan3A_17, %sub3A_28 : i32
      %add3A = arith.constant 8 : i32
      %add3A_30 = arith.addi %scan3A_17, %add3A : i32
      %sub3A_31 = arith.constant 4 : i32
      %sub3A_32 = arith.subi %add3A_30, %sub3A_31 : i32
      %rem3A_33 = arith.constant 8 : i32
      %rem3A_34 = arith.remsi %sub3A_32, %rem3A_33 : i32
      %ge3A_35 = arith.constant 0 : i32
      %ge3A_36 = arith.cmpi sge, %sub3A_29, %ge3A_35 : i32
      %lt3A_37 = arith.constant 80 : i32
      %lt3A_38 = arith.cmpi slt, %sub3A_29, %lt3A_37 : i32
      %and3A_39 = arith.andi %ge3A_36, %lt3A_38 : i1
      %convert_element_type3A_40 = arith.extui %and3A_39 : i1 to i32
      %cond3A_41 = arith.constant 0 : i32
      %cond3A_42 = arith.cmpi ne, %convert_element_type3A_40, %cond3A_41 : i32
      scf.if %cond3A_42 {
        %dma_wait3A = arith.constant 0 : i32
        %dma_wait3A_43 = arith.constant 0 : i32
        %dma_wait3A_44 = tpu.memref_slice %arg9[%rem3A_34, %dma_wait3A, %dma_wait3A_43] : memref<8x128x128xbf16, #tpu.memory_space<vmem>> -> memref<1x128x128xbf16, #tpu.memory_space<vmem>>
        %dma_wait3A_45 = tpu.memref_squeeze %dma_wait3A_44 : memref<1x128x128xbf16, #tpu.memory_space<vmem>> -> memref<128x128xbf16, #tpu.memory_space<vmem>>
        %dma_wait3A_46 = arith.constant 0 : i32
        %dma_wait3A_47 = arith.constant 0 : i32
        %dma_wait3A_48 = tpu.memref_slice %arg2[%dma_wait3A_46, %dma_wait3A_47] : memref<20480x128xbf16, #tpu.memory_space<hbm>> -> memref<128x128xbf16, #tpu.memory_space<hbm>>
        %dma_wait3A_49 = tpu.memref_slice %arg11[%rem3A_34] : memref<8x!tpu.dma_semaphore, #tpu.memory_space<semaphore_mem>> -> memref<1x!tpu.dma_semaphore, #tpu.memory_space<semaphore_mem>>
        %dma_wait3A_50 = tpu.memref_squeeze %dma_wait3A_49 : memref<1x!tpu.dma_semaphore, #tpu.memory_space<semaphore_mem>> -> memref<!tpu.dma_semaphore, #tpu.memory_space<semaphore_mem>>
        %dma_wait3A_51 = arith.constant 0 : i32
        %dma_wait3A_52 = arith.constant 0 : i32
        %dma_wait3A_53 = tpu.memref_slice %arg9[%rem3A_34, %dma_wait3A_51, %dma_wait3A_52] : memref<8x128x128xbf16, #tpu.memory_space<vmem>> -> memref<1x128x128xbf16, #tpu.memory_space<vmem>>
        %dma_wait3A_54 = tpu.memref_squeeze %dma_wait3A_53 : memref<1x128x128xbf16, #tpu.memory_space<vmem>> -> memref<128x128xbf16, #tpu.memory_space<vmem>>
        %dma_wait3A_55 = arith.constant 0 : i32
        %dma_wait3A_56 = arith.constant 0 : i32
        %dma_wait3A_57 = tpu.memref_slice %arg2[%dma_wait3A_55, %dma_wait3A_56] : memref<20480x128xbf16, #tpu.memory_space<hbm>> -> memref<128x128xbf16, #tpu.memory_space<hbm>>
        tpu.wait_dma2 semaphore(%dma_wait3A_50 : memref<!tpu.dma_semaphore, #tpu.memory_space<semaphore_mem>>) src(%dma_wait3A_57 : memref<128x128xbf16, #tpu.memory_space<hbm>>) dst(%dma_wait3A_54 : memref<128x128xbf16, #tpu.memory_space<vmem>>)
        %dma_start3A = arith.constant 0 : i32
        %dma_start3A_58 = arith.constant 0 : i32
        %dma_start3A_59 = tpu.memref_slice %arg9[%rem3A_34, %dma_start3A, %dma_start3A_58] : memref<8x128x128xbf16, #tpu.memory_space<vmem>> -> memref<1x128x128xbf16, #tpu.memory_space<vmem>>
        %dma_start3A_60 = tpu.memref_squeeze %dma_start3A_59 : memref<1x128x128xbf16, #tpu.memory_space<vmem>> -> memref<128x128xbf16, #tpu.memory_space<vmem>>
        %dma_start3A_61 = arith.constant 0 : i32
        %dma_start3A_62 = tpu.memref_slice %arg8[%sub3A_29, %dma_start3A_61] : memref<80x128xi32, #tpu.memory_space<vmem>> -> memref<1x128xi32, #tpu.memory_space<vmem>>
        %dma_start3A_63 = tpu.memref_squeeze %dma_start3A_62 : memref<1x128xi32, #tpu.memory_space<vmem>> -> memref<128xi32, #tpu.memory_space<vmem>>
        %dma_start3A_64 = arith.constant 0 : i32
        %dma_start3A_65 = arith.constant 0 : i32
        %dma_start3A_66 = tpu.memref_slice %arg10[%dma_start3A_64, %dma_start3A_65] : memref<10240x128xbf16, #tpu.memory_space<vmem_shared>> -> memref<10240x128xbf16, #tpu.memory_space<vmem_shared>>
        %dma_start3A_67 = tpu.memref_slice %arg12[%rem3A_34] : memref<8x!tpu.dma_semaphore, #tpu.memory_space<semaphore_mem>> -> memref<1x!tpu.dma_semaphore, #tpu.memory_space<semaphore_mem>>
        %dma_start3A_68 = tpu.memref_squeeze %dma_start3A_67 : memref<1x!tpu.dma_semaphore, #tpu.memory_space<semaphore_mem>> -> memref<!tpu.dma_semaphore, #tpu.memory_space<semaphore_mem>>
        tpu.enqueue_indirect_dma source(%dma_start3A_60 : memref<128x128xbf16, #tpu.memory_space<vmem>>) target(%dma_start3A_66 : memref<10240x128xbf16, #tpu.memory_space<vmem_shared>>) offsets(%dma_start3A_63 : memref<128xi32, #tpu.memory_space<vmem>>) semaphore(%dma_start3A_68 : memref<!tpu.dma_semaphore, #tpu.memory_space<semaphore_mem>>) {add = true}
      } else {
      }
    }
    %scan3A_11 = arith.constant 88 : i32
    %barrier3A_12 = arith.constant 0 : index
    tpu.barrier barrier_id(%barrier3A_12)
    %mul3A_13 = arith.constant 640 : i32
    %mul3A_14 = arith.muli %arg1, %mul3A_13 : i32
    %mul3A_15 = arith.constant 640 : i32
    %mul3A_16 = arith.muli %arg1, %mul3A_15 : i32
    "tpu.region"() ({
      %run_scoped3A = tpu.sem_alloc : memref<!tpu.dma_semaphore, #tpu.memory_space<semaphore_mem>>
      %dma_start3A = arith.constant 0 : i32
      %dma_start3A_17 = tpu.memref_slice %arg6[%arg0, %mul3A_16, %dma_start3A] : memref<2x10240x128xbf16, #tpu.memory_space<hbm>> -> memref<1x640x128xbf16, #tpu.memory_space<hbm>>
      %dma_start3A_18 = tpu.memref_squeeze %dma_start3A_17 : memref<1x640x128xbf16, #tpu.memory_space<hbm>> -> memref<640x128xbf16, #tpu.memory_space<hbm>>
      %dma_start3A_19 = arith.constant 0 : i32
      %dma_start3A_20 = tpu.memref_slice %arg10[%mul3A_14, %dma_start3A_19] : memref<10240x128xbf16, #tpu.memory_space<vmem_shared>> -> memref<640x128xbf16, #tpu.memory_space<vmem_shared>>
      tpu.enqueue_dma source(%dma_start3A_20 : memref<640x128xbf16, #tpu.memory_space<vmem_shared>>) target(%dma_start3A_18 : memref<640x128xbf16, #tpu.memory_space<hbm>>) target_semaphore(%run_scoped3A : memref<!tpu.dma_semaphore, #tpu.memory_space<semaphore_mem>>)
      %dma_wait3A = arith.constant 0 : i32
      %dma_wait3A_21 = tpu.memref_slice %arg6[%arg0, %mul3A_16, %dma_wait3A] : memref<2x10240x128xbf16, #tpu.memory_space<hbm>> -> memref<1x640x128xbf16, #tpu.memory_space<hbm>>
      %dma_wait3A_22 = tpu.memref_squeeze %dma_wait3A_21 : memref<1x640x128xbf16, #tpu.memory_space<hbm>> -> memref<640x128xbf16, #tpu.memory_space<hbm>>
      %dma_wait3A_23 = arith.constant 0 : i32
      %dma_wait3A_24 = tpu.memref_slice %arg10[%mul3A_14, %dma_wait3A_23] : memref<10240x128xbf16, #tpu.memory_space<vmem_shared>> -> memref<640x128xbf16, #tpu.memory_space<vmem_shared>>
      tpu.wait_dma2 semaphore(%run_scoped3A : memref<!tpu.dma_semaphore, #tpu.memory_space<semaphore_mem>>) src(%dma_wait3A_24 : memref<640x128xbf16, #tpu.memory_space<vmem_shared>>) dst(%dma_wait3A_22 : memref<640x128xbf16, #tpu.memory_space<hbm>>)
      tpu.yield
    }) : () -> ()
    return
  }
}

#map = affine_map<(d0, d1) -> (0, 0)>
#map1 = affine_map<(d0, d1) -> (0, 0, 0)>
module attributes {stable_mosaic.version = 14 : i64} {
  func.func @_agg_kernel(%arg0: i32, %arg1: i32, %arg2: memref<20480x128xbf16, #tpu.memory_space<hbm>>, %arg3: memref<2x1280x128xi32, #tpu.memory_space<hbm>>, %arg4: memref<1280x128xi32, #tpu.memory_space<hbm>>, %arg5: memref<10240x128xbf16, #tpu.memory_space<hbm>>, %arg6: memref<2x10240x128xbf16, #tpu.memory_space<hbm>>, %arg7: memref<80x128xi32, #tpu.memory_space<vmem>>, %arg8: memref<80x128xi32, #tpu.memory_space<vmem>>, %arg9: memref<8x128x128xbf16, #tpu.memory_space<vmem>>, %arg10: memref<10240x128xbf16, #tpu.memory_space<vmem_shared>>, %arg11: memref<8x!tpu.dma_semaphore, #tpu.memory_space<semaphore_mem>>, %arg12: memref<8x!tpu.dma_semaphore, #tpu.memory_space<semaphore_mem>>) attributes {dimension_semantics = [#tpu.dimension_semantics<core_parallel>, #tpu.dimension_semantics<subcore_parallel>], iteration_bounds = array<i64: 2, 16>, scalar_prefetch = 0 : i64, scratch_operands = 6 : i64, tpu.core_type = #tpu.core_type<sc_vector_subcore>, window_params = [{transform_indices = #map}, {transform_indices = #map1}, {transform_indices = #map}, {transform_indices = #map}, {transform_indices = #map1}]} {
    %mul3A = arith.constant 80 : i32
    %mul3A_0 = arith.muli %arg1, %mul3A : i32
    "tpu.region"() ({
      %run_scoped3A = tpu.sem_alloc : memref<!tpu.dma_semaphore, #tpu.memory_space<semaphore_mem>>
      %dma_start3A = arith.constant 0 : i32
      %dma_start3A_17 = tpu.memref_slice %arg4[%mul3A_0, %dma_start3A] : memref<1280x128xi32, #tpu.memory_space<hbm>> -> memref<80x128xi32, #tpu.memory_space<hbm>>
      %dma_start3A_18 = arith.constant 0 : i32
      %dma_start3A_19 = tpu.memref_slice %arg4[%mul3A_0, %dma_start3A_18] : memref<1280x128xi32, #tpu.memory_space<hbm>> -> memref<80x128xi32, #tpu.memory_space<hbm>>
      tpu.enqueue_dma source(%dma_start3A_19 : memref<80x128xi32, #tpu.memory_space<hbm>>) target(%arg8 : memref<80x128xi32, #tpu.memory_space<vmem>>) target_semaphore(%run_scoped3A : memref<!tpu.dma_semaphore, #tpu.memory_space<semaphore_mem>>)
      %dma_wait3A = arith.constant 0 : i32
      %dma_wait3A_20 = tpu.memref_slice %arg4[%mul3A_0, %dma_wait3A] : memref<1280x128xi32, #tpu.memory_space<hbm>> -> memref<80x128xi32, #tpu.memory_space<hbm>>
      %dma_wait3A_21 = arith.constant 0 : i32
      %dma_wait3A_22 = tpu.memref_slice %arg4[%mul3A_0, %dma_wait3A_21] : memref<1280x128xi32, #tpu.memory_space<hbm>> -> memref<80x128xi32, #tpu.memory_space<hbm>>
      tpu.wait_dma2 semaphore(%run_scoped3A : memref<!tpu.dma_semaphore, #tpu.memory_space<semaphore_mem>>) src(%dma_wait3A_22 : memref<80x128xi32, #tpu.memory_space<hbm>>) dst(%arg8 : memref<80x128xi32, #tpu.memory_space<vmem>>)
      tpu.yield
    }) : () -> ()
    %mul3A_1 = arith.constant 640 : i32
    %mul3A_2 = arith.muli %arg1, %mul3A_1 : i32
    %mul3A_3 = arith.constant 640 : i32
    %mul3A_4 = arith.muli %arg1, %mul3A_3 : i32
    "tpu.region"() ({
      %run_scoped3A = tpu.sem_alloc : memref<!tpu.dma_semaphore, #tpu.memory_space<semaphore_mem>>
      %dma_start3A = arith.constant 0 : i32
      %dma_start3A_17 = tpu.memref_slice %arg10[%mul3A_4, %dma_start3A] : memref<10240x128xbf16, #tpu.memory_space<vmem_shared>> -> memref<640x128xbf16, #tpu.memory_space<vmem_shared>>
      %dma_start3A_18 = arith.constant 0 : i32
      %dma_start3A_19 = tpu.memref_slice %arg5[%mul3A_2, %dma_start3A_18] : memref<10240x128xbf16, #tpu.memory_space<hbm>> -> memref<640x128xbf16, #tpu.memory_space<hbm>>
      tpu.enqueue_dma source(%dma_start3A_19 : memref<640x128xbf16, #tpu.memory_space<hbm>>) target(%dma_start3A_17 : memref<640x128xbf16, #tpu.memory_space<vmem_shared>>) target_semaphore(%run_scoped3A : memref<!tpu.dma_semaphore, #tpu.memory_space<semaphore_mem>>)
      %dma_wait3A = arith.constant 0 : i32
      %dma_wait3A_20 = tpu.memref_slice %arg10[%mul3A_4, %dma_wait3A] : memref<10240x128xbf16, #tpu.memory_space<vmem_shared>> -> memref<640x128xbf16, #tpu.memory_space<vmem_shared>>
      %dma_wait3A_21 = arith.constant 0 : i32
      %dma_wait3A_22 = tpu.memref_slice %arg5[%mul3A_2, %dma_wait3A_21] : memref<10240x128xbf16, #tpu.memory_space<hbm>> -> memref<640x128xbf16, #tpu.memory_space<hbm>>
      tpu.wait_dma2 semaphore(%run_scoped3A : memref<!tpu.dma_semaphore, #tpu.memory_space<semaphore_mem>>) src(%dma_wait3A_22 : memref<640x128xbf16, #tpu.memory_space<hbm>>) dst(%dma_wait3A_20 : memref<640x128xbf16, #tpu.memory_space<vmem_shared>>)
      tpu.yield
    }) : () -> ()
    %mul3A_5 = arith.constant 80 : i32
    %mul3A_6 = arith.muli %arg1, %mul3A_5 : i32
    "tpu.region"() ({
      %run_scoped3A = tpu.sem_alloc : memref<!tpu.dma_semaphore, #tpu.memory_space<semaphore_mem>>
      %dma_start3A = arith.constant 0 : i32
      %dma_start3A_17 = tpu.memref_slice %arg3[%arg0, %mul3A_6, %dma_start3A] : memref<2x1280x128xi32, #tpu.memory_space<hbm>> -> memref<1x80x128xi32, #tpu.memory_space<hbm>>
      %dma_start3A_18 = tpu.memref_squeeze %dma_start3A_17 : memref<1x80x128xi32, #tpu.memory_space<hbm>> -> memref<80x128xi32, #tpu.memory_space<hbm>>
      %dma_start3A_19 = arith.constant 0 : i32
      %dma_start3A_20 = tpu.memref_slice %arg3[%arg0, %mul3A_6, %dma_start3A_19] : memref<2x1280x128xi32, #tpu.memory_space<hbm>> -> memref<1x80x128xi32, #tpu.memory_space<hbm>>
      %dma_start3A_21 = tpu.memref_squeeze %dma_start3A_20 : memref<1x80x128xi32, #tpu.memory_space<hbm>> -> memref<80x128xi32, #tpu.memory_space<hbm>>
      tpu.enqueue_dma source(%dma_start3A_21 : memref<80x128xi32, #tpu.memory_space<hbm>>) target(%arg7 : memref<80x128xi32, #tpu.memory_space<vmem>>) target_semaphore(%run_scoped3A : memref<!tpu.dma_semaphore, #tpu.memory_space<semaphore_mem>>)
      %dma_wait3A = arith.constant 0 : i32
      %dma_wait3A_22 = tpu.memref_slice %arg3[%arg0, %mul3A_6, %dma_wait3A] : memref<2x1280x128xi32, #tpu.memory_space<hbm>> -> memref<1x80x128xi32, #tpu.memory_space<hbm>>
      %dma_wait3A_23 = tpu.memref_squeeze %dma_wait3A_22 : memref<1x80x128xi32, #tpu.memory_space<hbm>> -> memref<80x128xi32, #tpu.memory_space<hbm>>
      %dma_wait3A_24 = arith.constant 0 : i32
      %dma_wait3A_25 = tpu.memref_slice %arg3[%arg0, %mul3A_6, %dma_wait3A_24] : memref<2x1280x128xi32, #tpu.memory_space<hbm>> -> memref<1x80x128xi32, #tpu.memory_space<hbm>>
      %dma_wait3A_26 = tpu.memref_squeeze %dma_wait3A_25 : memref<1x80x128xi32, #tpu.memory_space<hbm>> -> memref<80x128xi32, #tpu.memory_space<hbm>>
      tpu.wait_dma2 semaphore(%run_scoped3A : memref<!tpu.dma_semaphore, #tpu.memory_space<semaphore_mem>>) src(%dma_wait3A_26 : memref<80x128xi32, #tpu.memory_space<hbm>>) dst(%arg7 : memref<80x128xi32, #tpu.memory_space<vmem>>)
      tpu.yield
    }) : () -> ()
    %barrier3A = arith.constant 0 : index
    tpu.barrier barrier_id(%barrier3A)
    %scan3A = arith.constant 0 : i32
    %scan3A_7 = arith.constant 0 : i32
    %scan3A_8 = arith.constant 88 : i32
    %scan3A_9 = arith.addi %scan3A_7, %scan3A_8 : i32
    %scan3A_10 = arith.constant 1 : i32
    scf.for %scan3A_17 = %scan3A_7 to %scan3A_9 step %scan3A_10  : i32 {
      %rem3A = arith.constant 8 : i32
      %rem3A_18 = arith.remsi %scan3A_17, %rem3A : i32
      %ge3A = arith.constant 8 : i32
      %ge3A_19 = arith.cmpi sge, %scan3A_17, %ge3A : i32
      %sub3A = arith.constant 8 : i32
      %sub3A_20 = arith.subi %scan3A_17, %sub3A : i32
      %lt3A = arith.constant 80 : i32
      %lt3A_21 = arith.cmpi slt, %sub3A_20, %lt3A : i32
      %and3A = arith.andi %ge3A_19, %lt3A_21 : i1
      %convert_element_type3A = arith.extui %and3A : i1 to i32
      %cond3A = arith.constant 0 : i32
      %cond3A_22 = arith.cmpi ne, %convert_element_type3A, %cond3A : i32
      scf.if %cond3A_22 {
        %rem3A_43 = arith.constant 80 : i32
        %rem3A_44 = arith.remsi %scan3A_17, %rem3A_43 : i32
        %dma_wait3A = arith.constant 0 : i32
        %dma_wait3A_45 = arith.constant 0 : i32
        %dma_wait3A_46 = tpu.memref_slice %arg9[%rem3A_18, %dma_wait3A, %dma_wait3A_45] : memref<8x128x128xbf16, #tpu.memory_space<vmem>> -> memref<1x128x128xbf16, #tpu.memory_space<vmem>>
        %dma_wait3A_47 = tpu.memref_squeeze %dma_wait3A_46 : memref<1x128x128xbf16, #tpu.memory_space<vmem>> -> memref<128x128xbf16, #tpu.memory_space<vmem>>
        %dma_wait3A_48 = arith.constant 0 : i32
        %dma_wait3A_49 = tpu.memref_slice %arg8[%rem3A_44, %dma_wait3A_48] : memref<80x128xi32, #tpu.memory_space<vmem>> -> memref<1x128xi32, #tpu.memory_space<vmem>>
        %dma_wait3A_50 = tpu.memref_squeeze %dma_wait3A_49 : memref<1x128xi32, #tpu.memory_space<vmem>> -> memref<128xi32, #tpu.memory_space<vmem>>
        %dma_wait3A_51 = arith.constant 0 : i32
        %dma_wait3A_52 = arith.constant 0 : i32
        %dma_wait3A_53 = tpu.memref_slice %arg10[%dma_wait3A_51, %dma_wait3A_52] : memref<10240x128xbf16, #tpu.memory_space<vmem_shared>> -> memref<10240x128xbf16, #tpu.memory_space<vmem_shared>>
        %dma_wait3A_54 = tpu.memref_slice %arg12[%rem3A_18] : memref<8x!tpu.dma_semaphore, #tpu.memory_space<semaphore_mem>> -> memref<1x!tpu.dma_semaphore, #tpu.memory_space<semaphore_mem>>
        %dma_wait3A_55 = tpu.memref_squeeze %dma_wait3A_54 : memref<1x!tpu.dma_semaphore, #tpu.memory_space<semaphore_mem>> -> memref<!tpu.dma_semaphore, #tpu.memory_space<semaphore_mem>>
        tpu.wait_indirect_dma semaphore(%dma_wait3A_55 : memref<!tpu.dma_semaphore, #tpu.memory_space<semaphore_mem>>) src(%dma_wait3A_47 : memref<128x128xbf16, #tpu.memory_space<vmem>>) dst(%dma_wait3A_53 : memref<10240x128xbf16, #tpu.memory_space<vmem_shared>>)
      } else {
      }
      %lt3A_23 = arith.constant 80 : i32
      %lt3A_24 = arith.cmpi slt, %scan3A_17, %lt3A_23 : i32
      %convert_element_type3A_25 = arith.extui %lt3A_24 : i1 to i32
      %cond3A_26 = arith.constant 0 : i32
      %cond3A_27 = arith.cmpi ne, %convert_element_type3A_25, %cond3A_26 : i32
      scf.if %cond3A_27 {
        %dma_start3A = arith.constant 0 : i32
        %dma_start3A_43 = arith.constant 0 : i32
        %dma_start3A_44 = tpu.memref_slice %arg9[%rem3A_18, %dma_start3A, %dma_start3A_43] : memref<8x128x128xbf16, #tpu.memory_space<vmem>> -> memref<1x128x128xbf16, #tpu.memory_space<vmem>>
        %dma_start3A_45 = tpu.memref_squeeze %dma_start3A_44 : memref<1x128x128xbf16, #tpu.memory_space<vmem>> -> memref<128x128xbf16, #tpu.memory_space<vmem>>
        %dma_start3A_46 = arith.constant 0 : i32
        %dma_start3A_47 = tpu.memref_slice %arg7[%scan3A_17, %dma_start3A_46] : memref<80x128xi32, #tpu.memory_space<vmem>> -> memref<1x128xi32, #tpu.memory_space<vmem>>
        %dma_start3A_48 = tpu.memref_squeeze %dma_start3A_47 : memref<1x128xi32, #tpu.memory_space<vmem>> -> memref<128xi32, #tpu.memory_space<vmem>>
        %dma_start3A_49 = arith.constant 0 : i32
        %dma_start3A_50 = arith.constant 0 : i32
        %dma_start3A_51 = tpu.memref_slice %arg2[%dma_start3A_49, %dma_start3A_50] : memref<20480x128xbf16, #tpu.memory_space<hbm>> -> memref<20480x128xbf16, #tpu.memory_space<hbm>>
        %dma_start3A_52 = tpu.memref_slice %arg11[%rem3A_18] : memref<8x!tpu.dma_semaphore, #tpu.memory_space<semaphore_mem>> -> memref<1x!tpu.dma_semaphore, #tpu.memory_space<semaphore_mem>>
        %dma_start3A_53 = tpu.memref_squeeze %dma_start3A_52 : memref<1x!tpu.dma_semaphore, #tpu.memory_space<semaphore_mem>> -> memref<!tpu.dma_semaphore, #tpu.memory_space<semaphore_mem>>
        tpu.enqueue_indirect_dma source(%dma_start3A_51 : memref<20480x128xbf16, #tpu.memory_space<hbm>>) target(%dma_start3A_45 : memref<128x128xbf16, #tpu.memory_space<vmem>>) offsets(%dma_start3A_48 : memref<128xi32, #tpu.memory_space<vmem>>) semaphore(%dma_start3A_53 : memref<!tpu.dma_semaphore, #tpu.memory_space<semaphore_mem>>)
      } else {
      }
      %sub3A_28 = arith.constant 4 : i32
      %sub3A_29 = arith.subi %scan3A_17, %sub3A_28 : i32
      %add3A = arith.constant 8 : i32
      %add3A_30 = arith.addi %scan3A_17, %add3A : i32
      %sub3A_31 = arith.constant 4 : i32
      %sub3A_32 = arith.subi %add3A_30, %sub3A_31 : i32
      %rem3A_33 = arith.constant 8 : i32
      %rem3A_34 = arith.remsi %sub3A_32, %rem3A_33 : i32
      %ge3A_35 = arith.constant 0 : i32
      %ge3A_36 = arith.cmpi sge, %sub3A_29, %ge3A_35 : i32
      %lt3A_37 = arith.constant 80 : i32
      %lt3A_38 = arith.cmpi slt, %sub3A_29, %lt3A_37 : i32
      %and3A_39 = arith.andi %ge3A_36, %lt3A_38 : i1
      %convert_element_type3A_40 = arith.extui %and3A_39 : i1 to i32
      %cond3A_41 = arith.constant 0 : i32
      %cond3A_42 = arith.cmpi ne, %convert_element_type3A_40, %cond3A_41 : i32
      scf.if %cond3A_42 {
        %dma_wait3A = arith.constant 0 : i32
        %dma_wait3A_43 = arith.constant 0 : i32
        %dma_wait3A_44 = tpu.memref_slice %arg9[%rem3A_34, %dma_wait3A, %dma_wait3A_43] : memref<8x128x128xbf16, #tpu.memory_space<vmem>> -> memref<1x128x128xbf16, #tpu.memory_space<vmem>>
        %dma_wait3A_45 = tpu.memref_squeeze %dma_wait3A_44 : memref<1x128x128xbf16, #tpu.memory_space<vmem>> -> memref<128x128xbf16, #tpu.memory_space<vmem>>
        %dma_wait3A_46 = arith.constant 0 : i32
        %dma_wait3A_47 = arith.constant 0 : i32
        %dma_wait3A_48 = tpu.memref_slice %arg2[%dma_wait3A_46, %dma_wait3A_47] : memref<20480x128xbf16, #tpu.memory_space<hbm>> -> memref<128x128xbf16, #tpu.memory_space<hbm>>
        %dma_wait3A_49 = tpu.memref_slice %arg11[%rem3A_34] : memref<8x!tpu.dma_semaphore, #tpu.memory_space<semaphore_mem>> -> memref<1x!tpu.dma_semaphore, #tpu.memory_space<semaphore_mem>>
        %dma_wait3A_50 = tpu.memref_squeeze %dma_wait3A_49 : memref<1x!tpu.dma_semaphore, #tpu.memory_space<semaphore_mem>> -> memref<!tpu.dma_semaphore, #tpu.memory_space<semaphore_mem>>
        %dma_wait3A_51 = arith.constant 0 : i32
        %dma_wait3A_52 = arith.constant 0 : i32
        %dma_wait3A_53 = tpu.memref_slice %arg9[%rem3A_34, %dma_wait3A_51, %dma_wait3A_52] : memref<8x128x128xbf16, #tpu.memory_space<vmem>> -> memref<1x128x128xbf16, #tpu.memory_space<vmem>>
        %dma_wait3A_54 = tpu.memref_squeeze %dma_wait3A_53 : memref<1x128x128xbf16, #tpu.memory_space<vmem>> -> memref<128x128xbf16, #tpu.memory_space<vmem>>
        %dma_wait3A_55 = arith.constant 0 : i32
        %dma_wait3A_56 = arith.constant 0 : i32
        %dma_wait3A_57 = tpu.memref_slice %arg2[%dma_wait3A_55, %dma_wait3A_56] : memref<20480x128xbf16, #tpu.memory_space<hbm>> -> memref<128x128xbf16, #tpu.memory_space<hbm>>
        tpu.wait_dma2 semaphore(%dma_wait3A_50 : memref<!tpu.dma_semaphore, #tpu.memory_space<semaphore_mem>>) src(%dma_wait3A_57 : memref<128x128xbf16, #tpu.memory_space<hbm>>) dst(%dma_wait3A_54 : memref<128x128xbf16, #tpu.memory_space<vmem>>)
        %dma_start3A = arith.constant 0 : i32
        %dma_start3A_58 = arith.constant 0 : i32
        %dma_start3A_59 = tpu.memref_slice %arg9[%rem3A_34, %dma_start3A, %dma_start3A_58] : memref<8x128x128xbf16, #tpu.memory_space<vmem>> -> memref<1x128x128xbf16, #tpu.memory_space<vmem>>
        %dma_start3A_60 = tpu.memref_squeeze %dma_start3A_59 : memref<1x128x128xbf16, #tpu.memory_space<vmem>> -> memref<128x128xbf16, #tpu.memory_space<vmem>>
        %dma_start3A_61 = arith.constant 0 : i32
        %dma_start3A_62 = tpu.memref_slice %arg8[%sub3A_29, %dma_start3A_61] : memref<80x128xi32, #tpu.memory_space<vmem>> -> memref<1x128xi32, #tpu.memory_space<vmem>>
        %dma_start3A_63 = tpu.memref_squeeze %dma_start3A_62 : memref<1x128xi32, #tpu.memory_space<vmem>> -> memref<128xi32, #tpu.memory_space<vmem>>
        %dma_start3A_64 = arith.constant 0 : i32
        %dma_start3A_65 = arith.constant 0 : i32
        %dma_start3A_66 = tpu.memref_slice %arg10[%dma_start3A_64, %dma_start3A_65] : memref<10240x128xbf16, #tpu.memory_space<vmem_shared>> -> memref<10240x128xbf16, #tpu.memory_space<vmem_shared>>
        %dma_start3A_67 = tpu.memref_slice %arg12[%rem3A_34] : memref<8x!tpu.dma_semaphore, #tpu.memory_space<semaphore_mem>> -> memref<1x!tpu.dma_semaphore, #tpu.memory_space<semaphore_mem>>
        %dma_start3A_68 = tpu.memref_squeeze %dma_start3A_67 : memref<1x!tpu.dma_semaphore, #tpu.memory_space<semaphore_mem>> -> memref<!tpu.dma_semaphore, #tpu.memory_space<semaphore_mem>>
        tpu.enqueue_indirect_dma source(%dma_start3A_60 : memref<128x128xbf16, #tpu.memory_space<vmem>>) target(%dma_start3A_66 : memref<10240x128xbf16, #tpu.memory_space<vmem_shared>>) offsets(%dma_start3A_63 : memref<128xi32, #tpu.memory_space<vmem>>) semaphore(%dma_start3A_68 : memref<!tpu.dma_semaphore, #tpu.memory_space<semaphore_mem>>) {add = true}
      } else {
      }
    }
    %scan3A_11 = arith.constant 88 : i32
    %barrier3A_12 = arith.constant 0 : index
    tpu.barrier barrier_id(%barrier3A_12)
    %mul3A_13 = arith.constant 640 : i32
    %mul3A_14 = arith.muli %arg1, %mul3A_13 : i32
    %mul3A_15 = arith.constant 640 : i32
    %mul3A_16 = arith.muli %arg1, %mul3A_15 : i32
    "tpu.region"() ({
      %run_scoped3A = tpu.sem_alloc : memref<!tpu.dma_semaphore, #tpu.memory_space<semaphore_mem>>
      %dma_start3A = arith.constant 0 : i32
      %dma_start3A_17 = tpu.memref_slice %arg6[%arg0, %mul3A_16, %dma_start3A] : memref<2x10240x128xbf16, #tpu.memory_space<hbm>> -> memref<1x640x128xbf16, #tpu.memory_space<hbm>>
      %dma_start3A_18 = tpu.memref_squeeze %dma_start3A_17 : memref<1x640x128xbf16, #tpu.memory_space<hbm>> -> memref<640x128xbf16, #tpu.memory_space<hbm>>
      %dma_start3A_19 = arith.constant 0 : i32
      %dma_start3A_20 = tpu.memref_slice %arg10[%mul3A_14, %dma_start3A_19] : memref<10240x128xbf16, #tpu.memory_space<vmem_shared>> -> memref<640x128xbf16, #tpu.memory_space<vmem_shared>>
      tpu.enqueue_dma source(%dma_start3A_20 : memref<640x128xbf16, #tpu.memory_space<vmem_shared>>) target(%dma_start3A_18 : memref<640x128xbf16, #tpu.memory_space<hbm>>) target_semaphore(%run_scoped3A : memref<!tpu.dma_semaphore, #tpu.memory_space<semaphore_mem>>)
      %dma_wait3A = arith.constant 0 : i32
      %dma_wait3A_21 = tpu.memref_slice %arg6[%arg0, %mul3A_16, %dma_wait3A] : memref<2x10240x128xbf16, #tpu.memory_space<hbm>> -> memref<1x640x128xbf16, #tpu.memory_space<hbm>>
      %dma_wait3A_22 = tpu.memref_squeeze %dma_wait3A_21 : memref<1x640x128xbf16, #tpu.memory_space<hbm>> -> memref<640x128xbf16, #tpu.memory_space<hbm>>
      %dma_wait3A_23 = arith.constant 0 : i32
      %dma_wait3A_24 = tpu.memref_slice %arg10[%mul3A_14, %dma_wait3A_23] : memref<10240x128xbf16, #tpu.memory_space<vmem_shared>> -> memref<640x128xbf16, #tpu.memory_space<vmem_shared>>
      tpu.wait_dma2 semaphore(%run_scoped3A : memref<!tpu.dma_semaphore, #tpu.memory_space<semaphore_mem>>) src(%dma_wait3A_24 : memref<640x128xbf16, #tpu.memory_space<vmem_shared>>) dst(%dma_wait3A_22 : memref<640x128xbf16, #tpu.memory_space<hbm>>)
      tpu.yield
    }) : () -> ()
    return
  }
}

module attributes {stable_mosaic.version = 14 : i64} {
  func.func @_a1_body(%arg0: i32, %arg1: memref<256x256xf32, #tpu.memory_space<vmem>>, %arg2: memref<1x1x256xf32, #tpu.memory_space<vmem>>, %arg3: memref<2x128x2x128xf32, #tpu.memory_space<vmem>>, %arg4: memref<2x256x128xbf16, #tpu.memory_space<vmem>>) attributes {dimension_semantics = [#tpu.dimension_semantics<arbitrary>], iteration_bounds = array<i64: 40>, scalar_prefetch = 0 : i64, scratch_operands = 0 : i64, tpu.core_type = #tpu.core_type<tc>, window_params = [{transform_indices = @transform_0, window_bounds = array<i64: 256, 256>}, {transform_indices = @transform_1, window_bounds = array<i64: 1, 1, 256>}, {pipeline_mode = #tpu.pipeline_mode<synchronous>, transform_indices = @transform_2, window_bounds = array<i64: 2, 128, 2, 128>}, {transform_indices = @transform_3, window_bounds = array<i64: 2, 256, 128>}]} {
    %get3A = arith.constant 0 : index
    %get3A_0 = arith.constant 0 : index
    %get3A_1 = arith.constant 0 : index
    %get3A_2 = vector.load %arg2[%get3A, %get3A_0, %get3A_1] : memref<1x1x256xf32, #tpu.memory_space<vmem>>, vector<1x1x256xf32>
    %get3A_3 = vector.shape_cast %get3A_2 : vector<1x1x256xf32> to vector<256xf32>
    %add3A = arith.constant 1.000000e+00 : f32
    %add3A_4 = vector.broadcast %add3A : f32 to vector<256xf32>
    %add3A_5 = arith.addf %get3A_3, %add3A_4 : vector<256xf32>
    %rsqrt3A = math.rsqrt %add3A_5 : vector<256xf32>
    %broadcast_in_dim3A = vector.shape_cast %rsqrt3A : vector<256xf32> to vector<256x1xf32>
    %get3A_6 = arith.constant 0 : index
    %get3A_7 = arith.constant 0 : index
    %get3A_8 = vector.load %arg1[%get3A_6, %get3A_7] : memref<256x256xf32, #tpu.memory_space<vmem>>, vector<256x128xf32>
    %get3A_9 = arith.constant 0 : index
    %get3A_10 = arith.constant 128 : index
    %get3A_11 = vector.load %arg1[%get3A_9, %get3A_10] : memref<256x256xf32, #tpu.memory_space<vmem>>, vector<256x128xf32>
    %get3A_12 = arith.constant 0 : index
    %get3A_13 = arith.constant 0 : index
    %get3A_14 = arith.constant 0 : index
    %get3A_15 = arith.constant 0 : index
    %get3A_16 = vector.load %arg3[%get3A_12, %get3A_13, %get3A_14, %get3A_15] : memref<2x128x2x128xf32, #tpu.memory_space<vmem>>, vector<1x128x1x128xf32>
    %get3A_17 = vector.shape_cast %get3A_16 : vector<1x128x1x128xf32> to vector<128x128xf32>
    %dot_general3A = arith.constant dense<0.000000e+00> : vector<256x128xf32>
    %dot_general3A_18 = tpu.matmul %get3A_8, %get3A_17, %dot_general3A {dimension_numbers = #tpu.dot_dimension_numbers<[1], [0], [0], [1], [0, 0, 1, 1], [], []>, transpose_lhs_hint = false} : vector<256x128xf32>, vector<128x128xf32>, vector<256x128xf32> -> vector<256x128xf32>
    %get3A_19 = arith.constant 1 : index
    %get3A_20 = arith.constant 0 : index
    %get3A_21 = arith.constant 0 : index
    %get3A_22 = arith.constant 0 : index
    %get3A_23 = vector.load %arg3[%get3A_19, %get3A_20, %get3A_21, %get3A_22] : memref<2x128x2x128xf32, #tpu.memory_space<vmem>>, vector<1x128x1x128xf32>
    %get3A_24 = vector.shape_cast %get3A_23 : vector<1x128x1x128xf32> to vector<128x128xf32>
    %dot_general3A_25 = arith.constant dense<0.000000e+00> : vector<256x128xf32>
    %dot_general3A_26 = tpu.matmul %get3A_11, %get3A_24, %dot_general3A_25 {dimension_numbers = #tpu.dot_dimension_numbers<[1], [0], [0], [1], [0, 0, 1, 1], [], []>, transpose_lhs_hint = false} : vector<256x128xf32>, vector<128x128xf32>, vector<256x128xf32> -> vector<256x128xf32>
    %add3A_27 = arith.addf %dot_general3A_18, %dot_general3A_26 : vector<256x128xf32>
    %get3A_28 = arith.constant 0 : index
    %get3A_29 = arith.constant 0 : index
    %get3A_30 = arith.constant 1 : index
    %get3A_31 = arith.constant 0 : index
    %get3A_32 = vector.load %arg3[%get3A_28, %get3A_29, %get3A_30, %get3A_31] : memref<2x128x2x128xf32, #tpu.memory_space<vmem>>, vector<1x128x1x128xf32>
    %get3A_33 = vector.shape_cast %get3A_32 : vector<1x128x1x128xf32> to vector<128x128xf32>
    %dot_general3A_34 = arith.constant dense<0.000000e+00> : vector<256x128xf32>
    %dot_general3A_35 = tpu.matmul %get3A_8, %get3A_33, %dot_general3A_34 {dimension_numbers = #tpu.dot_dimension_numbers<[1], [0], [0], [1], [0, 0, 1, 1], [], []>, transpose_lhs_hint = false} : vector<256x128xf32>, vector<128x128xf32>, vector<256x128xf32> -> vector<256x128xf32>
    %get3A_36 = arith.constant 1 : index
    %get3A_37 = arith.constant 0 : index
    %get3A_38 = arith.constant 1 : index
    %get3A_39 = arith.constant 0 : index
    %get3A_40 = vector.load %arg3[%get3A_36, %get3A_37, %get3A_38, %get3A_39] : memref<2x128x2x128xf32, #tpu.memory_space<vmem>>, vector<1x128x1x128xf32>
    %get3A_41 = vector.shape_cast %get3A_40 : vector<1x128x1x128xf32> to vector<128x128xf32>
    %dot_general3A_42 = arith.constant dense<0.000000e+00> : vector<256x128xf32>
    %dot_general3A_43 = tpu.matmul %get3A_11, %get3A_41, %dot_general3A_42 {dimension_numbers = #tpu.dot_dimension_numbers<[1], [0], [0], [1], [0, 0, 1, 1], [], []>, transpose_lhs_hint = false} : vector<256x128xf32>, vector<128x128xf32>, vector<256x128xf32> -> vector<256x128xf32>
    %add3A_44 = arith.addf %dot_general3A_35, %dot_general3A_43 : vector<256x128xf32>
    %mul3A = vector.broadcast %broadcast_in_dim3A : vector<256x1xf32> to vector<256x128xf32>
    %mul3A_45 = arith.mulf %add3A_27, %mul3A : vector<256x128xf32>
    %convert_element_type3A = arith.truncf %mul3A_45 : vector<256x128xf32> to vector<256x128xbf16>
    %swap3A = arith.constant 0 : index
    %swap3A_46 = arith.constant 0 : index
    %swap3A_47 = arith.constant 0 : index
    %swap3A_48 = vector.load %arg4[%swap3A, %swap3A_46, %swap3A_47] : memref<2x256x128xbf16, #tpu.memory_space<vmem>>, vector<1x256x128xbf16>
    %swap3A_49 = vector.shape_cast %swap3A_48 : vector<1x256x128xbf16> to vector<256x128xbf16>
    %swap3A_50 = vector.shape_cast %convert_element_type3A : vector<256x128xbf16> to vector<1x256x128xbf16>
    tpu.vector_store %arg4[%swap3A, %swap3A_46, %swap3A_47], %swap3A_50 {strides = array<i32>} : memref<2x256x128xbf16, #tpu.memory_space<vmem>>, vector<1x256x128xbf16>,
    %mul3A_51 = vector.broadcast %broadcast_in_dim3A : vector<256x1xf32> to vector<256x128xf32>
    %mul3A_52 = arith.mulf %add3A_44, %mul3A_51 : vector<256x128xf32>
    %convert_element_type3A_53 = arith.truncf %mul3A_52 : vector<256x128xf32> to vector<256x128xbf16>
    %swap3A_54 = arith.constant 1 : index
    %swap3A_55 = arith.constant 0 : index
    %swap3A_56 = arith.constant 0 : index
    %swap3A_57 = vector.load %arg4[%swap3A_54, %swap3A_55, %swap3A_56] : memref<2x256x128xbf16, #tpu.memory_space<vmem>>, vector<1x256x128xbf16>
    %swap3A_58 = vector.shape_cast %swap3A_57 : vector<1x256x128xbf16> to vector<256x128xbf16>
    %swap3A_59 = vector.shape_cast %convert_element_type3A_53 : vector<256x128xbf16> to vector<1x256x128xbf16>
    tpu.vector_store %arg4[%swap3A_54, %swap3A_55, %swap3A_56], %swap3A_59 {strides = array<i32>} : memref<2x256x128xbf16, #tpu.memory_space<vmem>>, vector<1x256x128xbf16>,
    return
  }
  func.func @transform_0(%arg0: i32) -> (i32, i32) {
    %c0_i32 = arith.constant 0 : i32
    %c0_i32_0 = arith.constant 0 : i32
    return %arg0, %c0_i32 : i32, i32
  }
  func.func @transform_1(%arg0: i32) -> (i32, i32, i32) {
    %c0_i32 = arith.constant 0 : i32
    %c0_i32_0 = arith.constant 0 : i32
    %c0_i32_1 = arith.constant 0 : i32
    return %arg0, %c0_i32, %c0_i32_0 : i32, i32, i32
  }
  func.func @transform_2(%arg0: i32) -> (i32, i32, i32, i32) {
    %c0_i32 = arith.constant 0 : i32
    %c0_i32_0 = arith.constant 0 : i32
    %c0_i32_1 = arith.constant 0 : i32
    %c0_i32_2 = arith.constant 0 : i32
    %c0_i32_3 = arith.constant 0 : i32
    return %c0_i32, %c0_i32_0, %c0_i32_1, %c0_i32_2 : i32, i32, i32, i32
  }
  func.func @transform_3(%arg0: i32) -> (i32, i32, i32) {
    %c0_i32 = arith.constant 0 : i32
    %c0_i32_0 = arith.constant 0 : i32
    %c0_i32_1 = arith.constant 0 : i32
    return %c0_i32, %arg0, %c0_i32_0 : i32, i32, i32
  }
}

module attributes {stable_mosaic.version = 14 : i64} {
  func.func @_a_body(%arg0: i32, %arg1: memref<2x256x128xbf16, #tpu.memory_space<vmem>>, %arg2: memref<2x256x128xbf16, #tpu.memory_space<vmem>>, %arg3: memref<1x1x256xf32, #tpu.memory_space<vmem>>, %arg4: memref<2x128x2x128xf32, #tpu.memory_space<vmem>>, %arg5: memref<2x128xf32, #tpu.memory_space<vmem>>, %arg6: memref<2x256x128xbf16, #tpu.memory_space<vmem>>) attributes {dimension_semantics = [#tpu.dimension_semantics<arbitrary>], iteration_bounds = array<i64: 40>, scalar_prefetch = 0 : i64, scratch_operands = 0 : i64, tpu.core_type = #tpu.core_type<tc>, window_params = [{transform_indices = @transform_0, window_bounds = array<i64: 2, 256, 128>}, {transform_indices = @transform_1, window_bounds = array<i64: 2, 256, 128>}, {transform_indices = @transform_2, window_bounds = array<i64: 1, 1, 256>}, {pipeline_mode = #tpu.pipeline_mode<synchronous>, transform_indices = @transform_3, window_bounds = array<i64: 2, 128, 2, 128>}, {pipeline_mode = #tpu.pipeline_mode<synchronous>, transform_indices = @transform_4, window_bounds = array<i64: 2, 128>}, {transform_indices = @transform_5, window_bounds = array<i64: 2, 256, 128>}]} {
    %get3A = arith.constant 0 : index
    %get3A_0 = arith.constant 0 : index
    %get3A_1 = arith.constant 0 : index
    %get3A_2 = vector.load %arg3[%get3A, %get3A_0, %get3A_1] : memref<1x1x256xf32, #tpu.memory_space<vmem>>, vector<1x1x256xf32>
    %get3A_3 = vector.shape_cast %get3A_2 : vector<1x1x256xf32> to vector<256xf32>
    %add3A = arith.constant 1.000000e+00 : f32
    %add3A_4 = vector.broadcast %add3A : f32 to vector<256xf32>
    %add3A_5 = arith.addf %get3A_3, %add3A_4 : vector<256xf32>
    %rsqrt3A = math.rsqrt %add3A_5 : vector<256xf32>
    %broadcast_in_dim3A = vector.shape_cast %rsqrt3A : vector<256xf32> to vector<256x1xf32>
    %get3A_6 = arith.constant 0 : index
    %get3A_7 = arith.constant 0 : index
    %get3A_8 = arith.constant 0 : index
    %get3A_9 = vector.load %arg1[%get3A_6, %get3A_7, %get3A_8] : memref<2x256x128xbf16, #tpu.memory_space<vmem>>, vector<1x256x128xbf16>
    %get3A_10 = vector.shape_cast %get3A_9 : vector<1x256x128xbf16> to vector<256x128xbf16>
    %convert_element_type3A = arith.extf %get3A_10 : vector<256x128xbf16> to vector<256x128xf32>
    %get3A_11 = arith.constant 0 : index
    %get3A_12 = arith.constant 0 : index
    %get3A_13 = arith.constant 0 : index
    %get3A_14 = vector.load %arg2[%get3A_11, %get3A_12, %get3A_13] : memref<2x256x128xbf16, #tpu.memory_space<vmem>>, vector<1x256x128xbf16>
    %get3A_15 = vector.shape_cast %get3A_14 : vector<1x256x128xbf16> to vector<256x128xbf16>
    %convert_element_type3A_16 = arith.extf %get3A_15 : vector<256x128xbf16> to vector<256x128xf32>
    %add3A_17 = arith.addf %convert_element_type3A, %convert_element_type3A_16 : vector<256x128xf32>
    %get3A_18 = arith.constant 1 : index
    %get3A_19 = arith.constant 0 : index
    %get3A_20 = arith.constant 0 : index
    %get3A_21 = vector.load %arg1[%get3A_18, %get3A_19, %get3A_20] : memref<2x256x128xbf16, #tpu.memory_space<vmem>>, vector<1x256x128xbf16>
    %get3A_22 = vector.shape_cast %get3A_21 : vector<1x256x128xbf16> to vector<256x128xbf16>
    %convert_element_type3A_23 = arith.extf %get3A_22 : vector<256x128xbf16> to vector<256x128xf32>
    %get3A_24 = arith.constant 1 : index
    %get3A_25 = arith.constant 0 : index
    %get3A_26 = arith.constant 0 : index
    %get3A_27 = vector.load %arg2[%get3A_24, %get3A_25, %get3A_26] : memref<2x256x128xbf16, #tpu.memory_space<vmem>>, vector<1x256x128xbf16>
    %get3A_28 = vector.shape_cast %get3A_27 : vector<1x256x128xbf16> to vector<256x128xbf16>
    %convert_element_type3A_29 = arith.extf %get3A_28 : vector<256x128xbf16> to vector<256x128xf32>
    %add3A_30 = arith.addf %convert_element_type3A_23, %convert_element_type3A_29 : vector<256x128xf32>
    %mul3A = vector.broadcast %broadcast_in_dim3A : vector<256x1xf32> to vector<256x128xf32>
    %mul3A_31 = arith.mulf %mul3A, %add3A_17 : vector<256x128xf32>
    %get3A_32 = arith.constant 0 : index
    %get3A_33 = arith.constant 0 : index
    %get3A_34 = vector.load %arg5[%get3A_32, %get3A_33] : memref<2x128xf32, #tpu.memory_space<vmem>>, vector<1x128xf32>
    %get3A_35 = vector.shape_cast %get3A_34 : vector<1x128xf32> to vector<128xf32>
    %broadcast_in_dim3A_36 = vector.shape_cast %get3A_35 : vector<128xf32> to vector<1x128xf32>
    %add3A_37 = vector.broadcast %broadcast_in_dim3A_36 : vector<1x128xf32> to vector<256x128xf32>
    %add3A_38 = arith.addf %mul3A_31, %add3A_37 : vector<256x128xf32>
    %max3A = arith.constant 0.000000e+00 : f32
    %max3A_39 = vector.broadcast %max3A : f32 to vector<256x128xf32>
    %max3A_40 = arith.maximumf %add3A_38, %max3A_39 : vector<256x128xf32>
    %mul3A_41 = vector.broadcast %broadcast_in_dim3A : vector<256x1xf32> to vector<256x128xf32>
    %mul3A_42 = arith.mulf %mul3A_41, %add3A_30 : vector<256x128xf32>
    %get3A_43 = arith.constant 1 : index
    %get3A_44 = arith.constant 0 : index
    %get3A_45 = vector.load %arg5[%get3A_43, %get3A_44] : memref<2x128xf32, #tpu.memory_space<vmem>>, vector<1x128xf32>
    %get3A_46 = vector.shape_cast %get3A_45 : vector<1x128xf32> to vector<128xf32>
    %broadcast_in_dim3A_47 = vector.shape_cast %get3A_46 : vector<128xf32> to vector<1x128xf32>
    %add3A_48 = vector.broadcast %broadcast_in_dim3A_47 : vector<1x128xf32> to vector<256x128xf32>
    %add3A_49 = arith.addf %mul3A_42, %add3A_48 : vector<256x128xf32>
    %max3A_50 = arith.constant 0.000000e+00 : f32
    %max3A_51 = vector.broadcast %max3A_50 : f32 to vector<256x128xf32>
    %max3A_52 = arith.maximumf %add3A_49, %max3A_51 : vector<256x128xf32>
    %get3A_53 = arith.constant 0 : index
    %get3A_54 = arith.constant 0 : index
    %get3A_55 = arith.constant 0 : index
    %get3A_56 = arith.constant 0 : index
    %get3A_57 = vector.load %arg4[%get3A_53, %get3A_54, %get3A_55, %get3A_56] : memref<2x128x2x128xf32, #tpu.memory_space<vmem>>, vector<1x128x1x128xf32>
    %get3A_58 = vector.shape_cast %get3A_57 : vector<1x128x1x128xf32> to vector<128x128xf32>
    %dot_general3A = arith.constant dense<0.000000e+00> : vector<256x128xf32>
    %dot_general3A_59 = tpu.matmul %max3A_40, %get3A_58, %dot_general3A {dimension_numbers = #tpu.dot_dimension_numbers<[1], [0], [0], [1], [0, 0, 1, 1], [], []>, transpose_lhs_hint = false} : vector<256x128xf32>, vector<128x128xf32>, vector<256x128xf32> -> vector<256x128xf32>
    %get3A_60 = arith.constant 1 : index
    %get3A_61 = arith.constant 0 : index
    %get3A_62 = arith.constant 0 : index
    %get3A_63 = arith.constant 0 : index
    %get3A_64 = vector.load %arg4[%get3A_60, %get3A_61, %get3A_62, %get3A_63] : memref<2x128x2x128xf32, #tpu.memory_space<vmem>>, vector<1x128x1x128xf32>
    %get3A_65 = vector.shape_cast %get3A_64 : vector<1x128x1x128xf32> to vector<128x128xf32>
    %dot_general3A_66 = arith.constant dense<0.000000e+00> : vector<256x128xf32>
    %dot_general3A_67 = tpu.matmul %max3A_52, %get3A_65, %dot_general3A_66 {dimension_numbers = #tpu.dot_dimension_numbers<[1], [0], [0], [1], [0, 0, 1, 1], [], []>, transpose_lhs_hint = false} : vector<256x128xf32>, vector<128x128xf32>, vector<256x128xf32> -> vector<256x128xf32>
    %add3A_68 = arith.addf %dot_general3A_59, %dot_general3A_67 : vector<256x128xf32>
    %get3A_69 = arith.constant 0 : index
    %get3A_70 = arith.constant 0 : index
    %get3A_71 = arith.constant 1 : index
    %get3A_72 = arith.constant 0 : index
    %get3A_73 = vector.load %arg4[%get3A_69, %get3A_70, %get3A_71, %get3A_72] : memref<2x128x2x128xf32, #tpu.memory_space<vmem>>, vector<1x128x1x128xf32>
    %get3A_74 = vector.shape_cast %get3A_73 : vector<1x128x1x128xf32> to vector<128x128xf32>
    %dot_general3A_75 = arith.constant dense<0.000000e+00> : vector<256x128xf32>
    %dot_general3A_76 = tpu.matmul %max3A_40, %get3A_74, %dot_general3A_75 {dimension_numbers = #tpu.dot_dimension_numbers<[1], [0], [0], [1], [0, 0, 1, 1], [], []>, transpose_lhs_hint = false} : vector<256x128xf32>, vector<128x128xf32>, vector<256x128xf32> -> vector<256x128xf32>
    %get3A_77 = arith.constant 1 : index
    %get3A_78 = arith.constant 0 : index
    %get3A_79 = arith.constant 1 : index
    %get3A_80 = arith.constant 0 : index
    %get3A_81 = vector.load %arg4[%get3A_77, %get3A_78, %get3A_79, %get3A_80] : memref<2x128x2x128xf32, #tpu.memory_space<vmem>>, vector<1x128x1x128xf32>
    %get3A_82 = vector.shape_cast %get3A_81 : vector<1x128x1x128xf32> to vector<128x128xf32>
    %dot_general3A_83 = arith.constant dense<0.000000e+00> : vector<256x128xf32>
    %dot_general3A_84 = tpu.matmul %max3A_52, %get3A_82, %dot_general3A_83 {dimension_numbers = #tpu.dot_dimension_numbers<[1], [0], [0], [1], [0, 0, 1, 1], [], []>, transpose_lhs_hint = false} : vector<256x128xf32>, vector<128x128xf32>, vector<256x128xf32> -> vector<256x128xf32>
    %add3A_85 = arith.addf %dot_general3A_76, %dot_general3A_84 : vector<256x128xf32>
    %mul3A_86 = vector.broadcast %broadcast_in_dim3A : vector<256x1xf32> to vector<256x128xf32>
    %mul3A_87 = arith.mulf %add3A_68, %mul3A_86 : vector<256x128xf32>
    %convert_element_type3A_88 = arith.truncf %mul3A_87 : vector<256x128xf32> to vector<256x128xbf16>
    %swap3A = arith.constant 0 : index
    %swap3A_89 = arith.constant 0 : index
    %swap3A_90 = arith.constant 0 : index
    %swap3A_91 = vector.load %arg6[%swap3A, %swap3A_89, %swap3A_90] : memref<2x256x128xbf16, #tpu.memory_space<vmem>>, vector<1x256x128xbf16>
    %swap3A_92 = vector.shape_cast %swap3A_91 : vector<1x256x128xbf16> to vector<256x128xbf16>
    %swap3A_93 = vector.shape_cast %convert_element_type3A_88 : vector<256x128xbf16> to vector<1x256x128xbf16>
    tpu.vector_store %arg6[%swap3A, %swap3A_89, %swap3A_90], %swap3A_93 {strides = array<i32>} : memref<2x256x128xbf16, #tpu.memory_space<vmem>>, vector<1x256x128xbf16>,
    %mul3A_94 = vector.broadcast %broadcast_in_dim3A : vector<256x1xf32> to vector<256x128xf32>
    %mul3A_95 = arith.mulf %add3A_85, %mul3A_94 : vector<256x128xf32>
    %convert_element_type3A_96 = arith.truncf %mul3A_95 : vector<256x128xf32> to vector<256x128xbf16>
    %swap3A_97 = arith.constant 1 : index
    %swap3A_98 = arith.constant 0 : index
    %swap3A_99 = arith.constant 0 : index
    %swap3A_100 = vector.load %arg6[%swap3A_97, %swap3A_98, %swap3A_99] : memref<2x256x128xbf16, #tpu.memory_space<vmem>>, vector<1x256x128xbf16>
    %swap3A_101 = vector.shape_cast %swap3A_100 : vector<1x256x128xbf16> to vector<256x128xbf16>
    %swap3A_102 = vector.shape_cast %convert_element_type3A_96 : vector<256x128xbf16> to vector<1x256x128xbf16>
    tpu.vector_store %arg6[%swap3A_97, %swap3A_98, %swap3A_99], %swap3A_102 {strides = array<i32>} : memref<2x256x128xbf16, #tpu.memory_space<vmem>>, vector<1x256x128xbf16>,
    return
  }
  func.func @transform_0(%arg0: i32) -> (i32, i32, i32) {
    %c0_i32 = arith.constant 0 : i32
    %c0_i32_0 = arith.constant 0 : i32
    %c0_i32_1 = arith.constant 0 : i32
    return %c0_i32, %arg0, %c0_i32_0 : i32, i32, i32
  }
  func.func @transform_1(%arg0: i32) -> (i32, i32, i32) {
    %c0_i32 = arith.constant 0 : i32
    %c0_i32_0 = arith.constant 0 : i32
    %c0_i32_1 = arith.constant 0 : i32
    return %c0_i32, %arg0, %c0_i32_0 : i32, i32, i32
  }
  func.func @transform_2(%arg0: i32) -> (i32, i32, i32) {
    %c0_i32 = arith.constant 0 : i32
    %c0_i32_0 = arith.constant 0 : i32
    %c0_i32_1 = arith.constant 0 : i32
    return %arg0, %c0_i32, %c0_i32_0 : i32, i32, i32
  }
  func.func @transform_3(%arg0: i32) -> (i32, i32, i32, i32) {
    %c0_i32 = arith.constant 0 : i32
    %c0_i32_0 = arith.constant 0 : i32
    %c0_i32_1 = arith.constant 0 : i32
    %c0_i32_2 = arith.constant 0 : i32
    %c0_i32_3 = arith.constant 0 : i32
    return %c0_i32, %c0_i32_0, %c0_i32_1, %c0_i32_2 : i32, i32, i32, i32
  }
  func.func @transform_4(%arg0: i32) -> (i32, i32) {
    %c0_i32 = arith.constant 0 : i32
    %c0_i32_0 = arith.constant 0 : i32
    %c0_i32_1 = arith.constant 0 : i32
    return %c0_i32, %c0_i32_0 : i32, i32
  }
  func.func @transform_5(%arg0: i32) -> (i32, i32, i32) {
    %c0_i32 = arith.constant 0 : i32
    %c0_i32_0 = arith.constant 0 : i32
    %c0_i32_1 = arith.constant 0 : i32
    return %c0_i32, %arg0, %c0_i32_0 : i32, i32, i32
  }
}

module attributes {stable_mosaic.version = 14 : i64} {
  func.func @_f_body(%arg0: i32, %arg1: memref<2x256x128xbf16, #tpu.memory_space<vmem>>, %arg2: memref<2x256x128xbf16, #tpu.memory_space<vmem>>, %arg3: memref<1x1x256xf32, #tpu.memory_space<vmem>>, %arg4: memref<2x128xf32, #tpu.memory_space<vmem>>, %arg5: memref<1x1x256xi32, #tpu.memory_space<vmem>>, %arg6: memref<2x128x256xf32, #tpu.memory_space<vmem>>, %arg7: memref<1x256xf32, #tpu.memory_space<vmem>>, %arg8: memref<256x10xf32, #tpu.memory_space<vmem>>, %arg9: memref<1x10xf32, #tpu.memory_space<vmem>>, %arg10: memref<64x10xf32, #tpu.memory_space<vmem>>, %arg11: memref<64x128xf32, #tpu.memory_space<vmem>>, %arg12: memref<64x128xf32, #tpu.memory_space<vmem>>, %arg13: memref<64x128xf32, #tpu.memory_space<vmem>>) attributes {dimension_semantics = [#tpu.dimension_semantics<arbitrary>], iteration_bounds = array<i64: 40>, scalar_prefetch = 0 : i64, scratch_operands = 3 : i64, tpu.core_type = #tpu.core_type<tc>, window_params = [{transform_indices = @transform_0, window_bounds = array<i64: 2, 256, 128>}, {transform_indices = @transform_1, window_bounds = array<i64: 2, 256, 128>}, {transform_indices = @transform_2, window_bounds = array<i64: 1, 1, 256>}, {pipeline_mode = #tpu.pipeline_mode<synchronous>, transform_indices = @transform_3, window_bounds = array<i64: 2, 128>}, {transform_indices = @transform_4, window_bounds = array<i64: 1, 1, 256>}, {pipeline_mode = #tpu.pipeline_mode<synchronous>, transform_indices = @transform_5, window_bounds = array<i64: 2, 128, 256>}, {pipeline_mode = #tpu.pipeline_mode<synchronous>, transform_indices = @transform_6, window_bounds = array<i64: 1, 256>}, {pipeline_mode = #tpu.pipeline_mode<synchronous>, transform_indices = @transform_7, window_bounds = array<i64: 256, 10>}, {pipeline_mode = #tpu.pipeline_mode<synchronous>, transform_indices = @transform_8, window_bounds = array<i64: 1, 10>}, {pipeline_mode = #tpu.pipeline_mode<synchronous>, transform_indices = @transform_9, window_bounds = array<i64: 64, 10>}]} {
    %eq3A = arith.constant 0 : i32
    %eq3A_0 = arith.cmpi eq, %arg0, %eq3A : i32
    %convert_element_type3A = arith.extui %eq3A_0 : i1 to i32
    %cond3A = arith.constant 0 : i32
    %cond3A_1 = arith.cmpi ne, %convert_element_type3A, %cond3A : i32
    scf.if %cond3A_1 {
      %broadcast_in_dim3A_98 = arith.constant 0.000000e+00 : f32
      %broadcast_in_dim3A_99 = vector.broadcast %broadcast_in_dim3A_98 : f32 to vector<64x128xf32>
      %swap3A_100 = arith.constant 0 : index
      %swap3A_101 = arith.constant 0 : index
      %swap3A_102 = vector.load %arg11[%swap3A_100, %swap3A_101] : memref<64x128xf32, #tpu.memory_space<vmem>>, vector<64x128xf32>
      tpu.vector_store %arg11[%swap3A_100, %swap3A_101], %broadcast_in_dim3A_99 {strides = array<i32>} : memref<64x128xf32, #tpu.memory_space<vmem>>, vector<64x128xf32>,
      %broadcast_in_dim3A_103 = arith.constant 0.000000e+00 : f32
      %broadcast_in_dim3A_104 = vector.broadcast %broadcast_in_dim3A_103 : f32 to vector<64x128xf32>
      %swap3A_105 = arith.constant 0 : index
      %swap3A_106 = arith.constant 0 : index
      %swap3A_107 = vector.load %arg12[%swap3A_105, %swap3A_106] : memref<64x128xf32, #tpu.memory_space<vmem>>, vector<64x128xf32>
      tpu.vector_store %arg12[%swap3A_105, %swap3A_106], %broadcast_in_dim3A_104 {strides = array<i32>} : memref<64x128xf32, #tpu.memory_space<vmem>>, vector<64x128xf32>,
      %broadcast_in_dim3A_108 = arith.constant 0.000000e+00 : f32
      %broadcast_in_dim3A_109 = vector.broadcast %broadcast_in_dim3A_108 : f32 to vector<64x128xf32>
      %swap3A_110 = arith.constant 0 : index
      %swap3A_111 = arith.constant 0 : index
      %swap3A_112 = vector.load %arg13[%swap3A_110, %swap3A_111] : memref<64x128xf32, #tpu.memory_space<vmem>>, vector<64x128xf32>
      tpu.vector_store %arg13[%swap3A_110, %swap3A_111], %broadcast_in_dim3A_109 {strides = array<i32>} : memref<64x128xf32, #tpu.memory_space<vmem>>, vector<64x128xf32>,
    } else {
    }
    %get3A = arith.constant 0 : index
    %get3A_2 = arith.constant 0 : index
    %get3A_3 = arith.constant 0 : index
    %get3A_4 = vector.load %arg3[%get3A, %get3A_2, %get3A_3] : memref<1x1x256xf32, #tpu.memory_space<vmem>>, vector<1x1x256xf32>
    %get3A_5 = vector.shape_cast %get3A_4 : vector<1x1x256xf32> to vector<256xf32>
    %add3A = arith.constant 1.000000e+00 : f32
    %add3A_6 = vector.broadcast %add3A : f32 to vector<256xf32>
    %add3A_7 = arith.addf %get3A_5, %add3A_6 : vector<256xf32>
    %rsqrt3A = math.rsqrt %add3A_7 : vector<256xf32>
    %broadcast_in_dim3A = vector.shape_cast %rsqrt3A : vector<256xf32> to vector<256x1xf32>
    %get3A_8 = arith.constant 0 : index
    %get3A_9 = arith.constant 0 : index
    %get3A_10 = arith.constant 0 : index
    %get3A_11 = vector.load %arg1[%get3A_8, %get3A_9, %get3A_10] : memref<2x256x128xbf16, #tpu.memory_space<vmem>>, vector<1x256x128xbf16>
    %get3A_12 = vector.shape_cast %get3A_11 : vector<1x256x128xbf16> to vector<256x128xbf16>
    %convert_element_type3A_13 = arith.extf %get3A_12 : vector<256x128xbf16> to vector<256x128xf32>
    %get3A_14 = arith.constant 0 : index
    %get3A_15 = arith.constant 0 : index
    %get3A_16 = arith.constant 0 : index
    %get3A_17 = vector.load %arg2[%get3A_14, %get3A_15, %get3A_16] : memref<2x256x128xbf16, #tpu.memory_space<vmem>>, vector<1x256x128xbf16>
    %get3A_18 = vector.shape_cast %get3A_17 : vector<1x256x128xbf16> to vector<256x128xbf16>
    %convert_element_type3A_19 = arith.extf %get3A_18 : vector<256x128xbf16> to vector<256x128xf32>
    %add3A_20 = arith.addf %convert_element_type3A_13, %convert_element_type3A_19 : vector<256x128xf32>
    %get3A_21 = arith.constant 1 : index
    %get3A_22 = arith.constant 0 : index
    %get3A_23 = arith.constant 0 : index
    %get3A_24 = vector.load %arg1[%get3A_21, %get3A_22, %get3A_23] : memref<2x256x128xbf16, #tpu.memory_space<vmem>>, vector<1x256x128xbf16>
    %get3A_25 = vector.shape_cast %get3A_24 : vector<1x256x128xbf16> to vector<256x128xbf16>
    %convert_element_type3A_26 = arith.extf %get3A_25 : vector<256x128xbf16> to vector<256x128xf32>
    %get3A_27 = arith.constant 1 : index
    %get3A_28 = arith.constant 0 : index
    %get3A_29 = arith.constant 0 : index
    %get3A_30 = vector.load %arg2[%get3A_27, %get3A_28, %get3A_29] : memref<2x256x128xbf16, #tpu.memory_space<vmem>>, vector<1x256x128xbf16>
    %get3A_31 = vector.shape_cast %get3A_30 : vector<1x256x128xbf16> to vector<256x128xbf16>
    %convert_element_type3A_32 = arith.extf %get3A_31 : vector<256x128xbf16> to vector<256x128xf32>
    %add3A_33 = arith.addf %convert_element_type3A_26, %convert_element_type3A_32 : vector<256x128xf32>
    %mul3A = vector.broadcast %broadcast_in_dim3A : vector<256x1xf32> to vector<256x128xf32>
    %mul3A_34 = arith.mulf %mul3A, %add3A_20 : vector<256x128xf32>
    %get3A_35 = arith.constant 0 : index
    %get3A_36 = arith.constant 0 : index
    %get3A_37 = vector.load %arg4[%get3A_35, %get3A_36] : memref<2x128xf32, #tpu.memory_space<vmem>>, vector<1x128xf32>
    %get3A_38 = vector.shape_cast %get3A_37 : vector<1x128xf32> to vector<128xf32>
    %broadcast_in_dim3A_39 = vector.shape_cast %get3A_38 : vector<128xf32> to vector<1x128xf32>
    %add3A_40 = vector.broadcast %broadcast_in_dim3A_39 : vector<1x128xf32> to vector<256x128xf32>
    %add3A_41 = arith.addf %mul3A_34, %add3A_40 : vector<256x128xf32>
    %max3A = arith.constant 0.000000e+00 : f32
    %max3A_42 = vector.broadcast %max3A : f32 to vector<256x128xf32>
    %max3A_43 = arith.maximumf %add3A_41, %max3A_42 : vector<256x128xf32>
    %mul3A_44 = vector.broadcast %broadcast_in_dim3A : vector<256x1xf32> to vector<256x128xf32>
    %mul3A_45 = arith.mulf %mul3A_44, %add3A_33 : vector<256x128xf32>
    %get3A_46 = arith.constant 1 : index
    %get3A_47 = arith.constant 0 : index
    %get3A_48 = vector.load %arg4[%get3A_46, %get3A_47] : memref<2x128xf32, #tpu.memory_space<vmem>>, vector<1x128xf32>
    %get3A_49 = vector.shape_cast %get3A_48 : vector<1x128xf32> to vector<128xf32>
    %broadcast_in_dim3A_50 = vector.shape_cast %get3A_49 : vector<128xf32> to vector<1x128xf32>
    %add3A_51 = vector.broadcast %broadcast_in_dim3A_50 : vector<1x128xf32> to vector<256x128xf32>
    %add3A_52 = arith.addf %mul3A_45, %add3A_51 : vector<256x128xf32>
    %max3A_53 = arith.constant 0.000000e+00 : f32
    %max3A_54 = vector.broadcast %max3A_53 : f32 to vector<256x128xf32>
    %max3A_55 = arith.maximumf %add3A_52, %max3A_54 : vector<256x128xf32>
    %iota3A = tpu.iota {dimensions = array<i32: 0>} : vector<64x256xi32>
    %get3A_56 = arith.constant 0 : index
    %get3A_57 = arith.constant 0 : index
    %get3A_58 = arith.constant 0 : index
    %get3A_59 = vector.load %arg5[%get3A_56, %get3A_57, %get3A_58] : memref<1x1x256xi32, #tpu.memory_space<vmem>>, vector<1x1x256xi32>
    %get3A_60 = vector.shape_cast %get3A_59 : vector<1x1x256xi32> to vector<256xi32>
    %broadcast_in_dim3A_61 = vector.shape_cast %get3A_60 : vector<256xi32> to vector<1x256xi32>
    %eq3A_62 = vector.broadcast %broadcast_in_dim3A_61 : vector<1x256xi32> to vector<64x256xi32>
    %eq3A_63 = arith.cmpi eq, %iota3A, %eq3A_62 : vector<64x256xi32>
    %convert_element_type3A_64 = arith.extui %eq3A_63 : vector<64x256xi1> to vector<64x256xi32>
    %convert_element_type3A_65 = arith.sitofp %convert_element_type3A_64 : vector<64x256xi32> to vector<64x256xf32>
    %get3A_66 = arith.constant 0 : index
    %get3A_67 = arith.constant 0 : index
    %get3A_68 = vector.load %arg11[%get3A_66, %get3A_67] : memref<64x128xf32, #tpu.memory_space<vmem>>, vector<64x128xf32>
    %dot_general3A = arith.constant dense<0.000000e+00> : vector<64x128xf32>
    %dot_general3A_69 = tpu.matmul %convert_element_type3A_65, %max3A_43, %dot_general3A {dimension_numbers = #tpu.dot_dimension_numbers<[1], [0], [0], [1], [0, 0, 1, 1], [], []>, transpose_lhs_hint = false} : vector<64x256xf32>, vector<256x128xf32>, vector<64x128xf32> -> vector<64x128xf32>
    %add3A_70 = arith.addf %get3A_68, %dot_general3A_69 : vector<64x128xf32>
    %swap3A = arith.constant 0 : index
    %swap3A_71 = arith.constant 0 : index
    %swap3A_72 = vector.load %arg11[%swap3A, %swap3A_71] : memref<64x128xf32, #tpu.memory_space<vmem>>, vector<64x128xf32>
    tpu.vector_store %arg11[%swap3A, %swap3A_71], %add3A_70 {strides = array<i32>} : memref<64x128xf32, #tpu.memory_space<vmem>>, vector<64x128xf32>,
    %get3A_73 = arith.constant 0 : index
    %get3A_74 = arith.constant 0 : index
    %get3A_75 = vector.load %arg12[%get3A_73, %get3A_74] : memref<64x128xf32, #tpu.memory_space<vmem>>, vector<64x128xf32>
    %dot_general3A_76 = arith.constant dense<0.000000e+00> : vector<64x128xf32>
    %dot_general3A_77 = tpu.matmul %convert_element_type3A_65, %max3A_55, %dot_general3A_76 {dimension_numbers = #tpu.dot_dimension_numbers<[1], [0], [0], [1], [0, 0, 1, 1], [], []>, transpose_lhs_hint = false} : vector<64x256xf32>, vector<256x128xf32>, vector<64x128xf32> -> vector<64x128xf32>
    %add3A_78 = arith.addf %get3A_75, %dot_general3A_77 : vector<64x128xf32>
    %swap3A_79 = arith.constant 0 : index
    %swap3A_80 = arith.constant 0 : index
    %swap3A_81 = vector.load %arg12[%swap3A_79, %swap3A_80] : memref<64x128xf32, #tpu.memory_space<vmem>>, vector<64x128xf32>
    tpu.vector_store %arg12[%swap3A_79, %swap3A_80], %add3A_78 {strides = array<i32>} : memref<64x128xf32, #tpu.memory_space<vmem>>, vector<64x128xf32>,
    %get3A_82 = arith.constant 0 : index
    %get3A_83 = arith.constant 0 : index
    %get3A_84 = vector.load %arg13[%get3A_82, %get3A_83] : memref<64x128xf32, #tpu.memory_space<vmem>>, vector<64x128xf32>
    %reduce_sum3A = arith.constant dense<0.000000e+00> : vector<64xf32>
    %reduce_sum3A_85 = vector.multi_reduction <add>, %convert_element_type3A_65, %reduce_sum3A [1] : vector<64x256xf32> to vector<64xf32>
    %broadcast_in_dim3A_86 = vector.shape_cast %reduce_sum3A_85 : vector<64xf32> to vector<64x1xf32>
    %broadcast_in_dim3A_87 = vector.shape_cast %broadcast_in_dim3A_86 : vector<64x1xf32> to vector<64x1xf32>
    %broadcast_in_dim3A_88 = vector.broadcast %broadcast_in_dim3A_87 : vector<64x1xf32> to vector<64x128xf32>
    %add3A_89 = arith.addf %get3A_84, %broadcast_in_dim3A_88 : vector<64x128xf32>
    %swap3A_90 = arith.constant 0 : index
    %swap3A_91 = arith.constant 0 : index
    %swap3A_92 = vector.load %arg13[%swap3A_90, %swap3A_91] : memref<64x128xf32, #tpu.memory_space<vmem>>, vector<64x128xf32>
    tpu.vector_store %arg13[%swap3A_90, %swap3A_91], %add3A_89 {strides = array<i32>} : memref<64x128xf32, #tpu.memory_space<vmem>>, vector<64x128xf32>,
    %eq3A_93 = arith.constant 39 : i32
    %eq3A_94 = arith.cmpi eq, %arg0, %eq3A_93 : i32
    %convert_element_type3A_95 = arith.extui %eq3A_94 : i1 to i32
    %cond3A_96 = arith.constant 0 : i32
    %cond3A_97 = arith.cmpi ne, %convert_element_type3A_95, %cond3A_96 : i32
    scf.if %cond3A_97 {
      %get3A_98 = arith.constant 0 : index
      %get3A_99 = arith.constant 0 : index
      %get3A_100 = vector.load %arg13[%get3A_98, %get3A_99] : memref<64x128xf32, #tpu.memory_space<vmem>>, vector<64x1xf32>
      %max3A_101 = arith.constant 1.000000e+00 : f32
      %max3A_102 = vector.broadcast %max3A_101 : f32 to vector<64x1xf32>
      %max3A_103 = arith.maximumf %get3A_100, %max3A_102 : vector<64x1xf32>
      %get3A_104 = arith.constant 0 : index
      %get3A_105 = arith.constant 0 : index
      %get3A_106 = vector.load %arg11[%get3A_104, %get3A_105] : memref<64x128xf32, #tpu.memory_space<vmem>>, vector<64x128xf32>
      %div3A = vector.broadcast %max3A_103 : vector<64x1xf32> to vector<64x128xf32>
      %div3A_107 = arith.divf %get3A_106, %div3A : vector<64x128xf32>
      %get3A_108 = arith.constant 0 : index
      %get3A_109 = arith.constant 0 : index
      %get3A_110 = vector.load %arg12[%get3A_108, %get3A_109] : memref<64x128xf32, #tpu.memory_space<vmem>>, vector<64x128xf32>
      %div3A_111 = vector.broadcast %max3A_103 : vector<64x1xf32> to vector<64x128xf32>
      %div3A_112 = arith.divf %get3A_110, %div3A_111 : vector<64x128xf32>
      %get3A_113 = arith.constant 0 : index
      %get3A_114 = arith.constant 0 : index
      %get3A_115 = arith.constant 0 : index
      %get3A_116 = vector.load %arg6[%get3A_113, %get3A_114, %get3A_115] : memref<2x128x256xf32, #tpu.memory_space<vmem>>, vector<1x128x256xf32>
      %get3A_117 = vector.shape_cast %get3A_116 : vector<1x128x256xf32> to vector<128x256xf32>
      %dot_general3A_118 = arith.constant dense<0.000000e+00> : vector<64x256xf32>
      %dot_general3A_119 = tpu.matmul %div3A_107, %get3A_117, %dot_general3A_118 {dimension_numbers = #tpu.dot_dimension_numbers<[1], [0], [0], [1], [0, 0, 1, 1], [], []>, transpose_lhs_hint = false} : vector<64x128xf32>, vector<128x256xf32>, vector<64x256xf32> -> vector<64x256xf32>
      %get3A_120 = arith.constant 1 : index
      %get3A_121 = arith.constant 0 : index
      %get3A_122 = arith.constant 0 : index
      %get3A_123 = vector.load %arg6[%get3A_120, %get3A_121, %get3A_122] : memref<2x128x256xf32, #tpu.memory_space<vmem>>, vector<1x128x256xf32>
      %get3A_124 = vector.shape_cast %get3A_123 : vector<1x128x256xf32> to vector<128x256xf32>
      %dot_general3A_125 = arith.constant dense<0.000000e+00> : vector<64x256xf32>
      %dot_general3A_126 = tpu.matmul %div3A_112, %get3A_124, %dot_general3A_125 {dimension_numbers = #tpu.dot_dimension_numbers<[1], [0], [0], [1], [0, 0, 1, 1], [], []>, transpose_lhs_hint = false} : vector<64x128xf32>, vector<128x256xf32>, vector<64x256xf32> -> vector<64x256xf32>
      %add3A_127 = arith.addf %dot_general3A_119, %dot_general3A_126 : vector<64x256xf32>
      %get3A_128 = arith.constant 0 : index
      %get3A_129 = arith.constant 0 : index
      %get3A_130 = vector.load %arg7[%get3A_128, %get3A_129] : memref<1x256xf32, #tpu.memory_space<vmem>>, vector<1x256xf32>
      %get3A_131 = vector.shape_cast %get3A_130 : vector<1x256xf32> to vector<256xf32>
      %broadcast_in_dim3A_132 = vector.shape_cast %get3A_131 : vector<256xf32> to vector<1x256xf32>
      %add3A_133 = vector.broadcast %broadcast_in_dim3A_132 : vector<1x256xf32> to vector<64x256xf32>
      %add3A_134 = arith.addf %add3A_127, %add3A_133 : vector<64x256xf32>
      %max3A_135 = arith.constant 0.000000e+00 : f32
      %max3A_136 = vector.broadcast %max3A_135 : f32 to vector<64x256xf32>
      %max3A_137 = arith.maximumf %add3A_134, %max3A_136 : vector<64x256xf32>
      %get3A_138 = arith.constant 0 : index
      %get3A_139 = arith.constant 0 : index
      %get3A_140 = vector.load %arg8[%get3A_138, %get3A_139] : memref<256x10xf32, #tpu.memory_space<vmem>>, vector<256x10xf32>
      %dot_general3A_141 = arith.constant dense<0.000000e+00> : vector<64x10xf32>
      %dot_general3A_142 = tpu.matmul %max3A_137, %get3A_140, %dot_general3A_141 {dimension_numbers = #tpu.dot_dimension_numbers<[1], [0], [0], [1], [0, 0, 1, 1], [], []>, transpose_lhs_hint = false} : vector<64x256xf32>, vector<256x10xf32>, vector<64x10xf32> -> vector<64x10xf32>
      %get3A_143 = arith.constant 0 : index
      %get3A_144 = arith.constant 0 : index
      %get3A_145 = vector.load %arg9[%get3A_143, %get3A_144] : memref<1x10xf32, #tpu.memory_space<vmem>>, vector<1x10xf32>
      %get3A_146 = vector.shape_cast %get3A_145 : vector<1x10xf32> to vector<10xf32>
      %broadcast_in_dim3A_147 = vector.shape_cast %get3A_146 : vector<10xf32> to vector<1x10xf32>
      %add3A_148 = vector.broadcast %broadcast_in_dim3A_147 : vector<1x10xf32> to vector<64x10xf32>
      %add3A_149 = arith.addf %dot_general3A_142, %add3A_148 : vector<64x10xf32>
      %swap3A_150 = arith.constant 0 : index
      %swap3A_151 = arith.constant 0 : index
      %swap3A_152 = vector.load %arg10[%swap3A_150, %swap3A_151] : memref<64x10xf32, #tpu.memory_space<vmem>>, vector<64x10xf32>
      tpu.vector_store %arg10[%swap3A_150, %swap3A_151], %add3A_149 {strides = array<i32>} : memref<64x10xf32, #tpu.memory_space<vmem>>, vector<64x10xf32>,
    } else {
    }
    return
  }
  func.func @transform_0(%arg0: i32) -> (i32, i32, i32) {
    %c0_i32 = arith.constant 0 : i32
    %c0_i32_0 = arith.constant 0 : i32
    %c0_i32_1 = arith.constant 0 : i32
    return %c0_i32, %arg0, %c0_i32_0 : i32, i32, i32
  }
  func.func @transform_1(%arg0: i32) -> (i32, i32, i32) {
    %c0_i32 = arith.constant 0 : i32
    %c0_i32_0 = arith.constant 0 : i32
    %c0_i32_1 = arith.constant 0 : i32
    return %c0_i32, %arg0, %c0_i32_0 : i32, i32, i32
  }
  func.func @transform_2(%arg0: i32) -> (i32, i32, i32) {
    %c0_i32 = arith.constant 0 : i32
    %c0_i32_0 = arith.constant 0 : i32
    %c0_i32_1 = arith.constant 0 : i32
    return %arg0, %c0_i32, %c0_i32_0 : i32, i32, i32
  }
  func.func @transform_3(%arg0: i32) -> (i32, i32) {
    %c0_i32 = arith.constant 0 : i32
    %c0_i32_0 = arith.constant 0 : i32
    %c0_i32_1 = arith.constant 0 : i32
    return %c0_i32, %c0_i32_0 : i32, i32
  }
  func.func @transform_4(%arg0: i32) -> (i32, i32, i32) {
    %c0_i32 = arith.constant 0 : i32
    %c0_i32_0 = arith.constant 0 : i32
    %c0_i32_1 = arith.constant 0 : i32
    return %arg0, %c0_i32, %c0_i32_0 : i32, i32, i32
  }
  func.func @transform_5(%arg0: i32) -> (i32, i32, i32) {
    %c0_i32 = arith.constant 0 : i32
    %c0_i32_0 = arith.constant 0 : i32
    %c0_i32_1 = arith.constant 0 : i32
    %c0_i32_2 = arith.constant 0 : i32
    return %c0_i32, %c0_i32_0, %c0_i32_1 : i32, i32, i32
  }
  func.func @transform_6(%arg0: i32) -> (i32, i32) {
    %c0_i32 = arith.constant 0 : i32
    %c0_i32_0 = arith.constant 0 : i32
    %c0_i32_1 = arith.constant 0 : i32
    return %c0_i32, %c0_i32_0 : i32, i32
  }
  func.func @transform_7(%arg0: i32) -> (i32, i32) {
    %c0_i32 = arith.constant 0 : i32
    %c0_i32_0 = arith.constant 0 : i32
    %c0_i32_1 = arith.constant 0 : i32
    return %c0_i32, %c0_i32_0 : i32, i32
  }
  func.func @transform_8(%arg0: i32) -> (i32, i32) {
    %c0_i32 = arith.constant 0 : i32
    %c0_i32_0 = arith.constant 0 : i32
    %c0_i32_1 = arith.constant 0 : i32
    return %c0_i32, %c0_i32_0 : i32, i32
  }
  func.func @transform_9(%arg0: i32) -> (i32, i32) {
    %c0_i32 = arith.constant 0 : i32
    %c0_i32_0 = arith.constant 0 : i32
    %c0_i32_1 = arith.constant 0 : i32
    return %c0_i32, %c0_i32_0 : i32, i32
  }
}

</mosaic_0001>

<sc_bundles>
// kernel: kernel.10.cloned.1.call-start
scs
__scs_entry_jumppad:
0x0: {  	(pc) =	sbr.rel $0x88, $3  }
0x1: {  	(tag) =	ssettag $0x0;
	lr =	simm.s32 $0x1  }
0x2: {  	[smem:$0x3F98] =	sst lr;
	_ =	strace $0xD0000000  }
0x3: {  	_ = 	snop  }
0x4: {  	_ = 	snop  }
0x5: {  	_ = 	snop  }
0x6: {  	_ = 	snop  }
0x7: {  	_ = 	snop  }
__scs_overlays_trampoline_lowered:
0x8: {  	[smem:$0x3FA7] =	sst s0  }
0x9: {  	[smem:$0x3FA8] =	sst s1  }
0xa: {  	[smem:$0x3FA9] =	sst s2  }
0xb: {  	[smem:$0x3FAA] =	sst s3  }
0xc: {  	[smem:$0x3FAB] =	sst s4  }
0xd: {  	[smem:$0x3FAC] =	sst s5  }
0xe: {  	[smem:$0x3FAD] =	sst s6  }
0xf: {  	[smem:$0x3FAE] =	sst s7  }
0x10: {  	[smem:$0x3FAF] =	sst s8  }
0x11: {  	[smem:$0x3FB0] =	sst s9;
	s0 =	simm.s32 @!p0 $0x0  }
0x12: {  	s1 =	sld [smem:$0x3F96];
	s0 =	simm.s32 @p0 $0x1  }
0x13: {  	[smem:$0x3FB1] =	sst s0;
	s0 =	simm.s32 @!p1 $0x0  }
0x14: {  	s2 =	sld [smem:$0x3F95];
	s0 =	simm.s32 @p1 $0x1  }
0x15: {  	[smem:$0x3FB2] =	sst s0;
	s0 =	simm.s32 @!p2 $0x0  }
0x16: {  	s3 =	sld [smem:$0x3FDB];
	s0 =	simm.s32 @p2 $0x1  }
0x17: {  	s4 =	simm.s32 $0x1BF5;
	[smem:$0x3FB4] =	sst s0  }
0x18: {  	s0 =	sld [smem:$0x3F97];
	_ =	swait.ge [sflag:s4], $0x0  }
0x19: {  	s7 =	sld [smem:$0x3F98]  }
0x1a: {  	s8 =	sadd.s32 $0xFFFFE003, lr  }
0x1b: {  	s9 =	sadd.s32 $0xFFFFFEF7, lr;
	s5 =	simm.s32 $0xFFFFFFFF;
	p2 =	slt.u32 s8, $0xFFFFF086  }
0x1c: {  	p1 =	slt.u32 s9, $0xF7A;
	s5 =	simm.s32 @!p2 $0x0  }
0x1d: {  	s5 =	simm.s32 @p1 $0x1;
	p0 =	seq.s32 s7, s2  }
0x1e: {  	s7 =	smul.u32 @!p0 $0xF7A, s2;
	p2 =	seq.s32 @!p0 s5, $0x0  }
0x1f: {  	s9 =	smul.u32 $0xF7A, s1;
	s8 =	simm.s32 @!p0 $0x1BF5;
	p2 =	por !p2, p0  }
0x20: {  	[sflag:s8] =	ssyncset.s32 @!p0 $0xFFFFF086;
	s6 =	sadd.s32 @!p0 s3, s7;
	s7 =	simm.s32 @!p0 $0x108  }
0x21: {  	s3 =	sadd.s32 s3, s9;
	s6 =	sadd.s32 @!p0 $0x88, s6;
	s7 =	simm.s32 @p2 $0x1082  }
0x22: {  	[simem:s7], [sflag:s8] =	dma.local @!p0 [hbm:s6], $0xF7A  }
0x23: {  	s9 =	sor.u32 $0xD0000000, s2;
	s6 =	simm.s32 $0x108;
	_ =	swait.ge @!p0 [sflag:s8], $0x0  }
0x24: {  	s3 =	sadd.s32 $0x88, s3;
	s6 =	simm.s32 @!p1 $0x1082;
	[sflag:s4] =	ssyncset.s32 $0xFFFFF086  }
0x25: {  	[simem:s6], [sflag:s4] =	dma.local [hbm:s3], $0xF7A  }
0x26: {  	[smem:$0x3F98] =	sst s1;
	(tag) =	ssettag s2;
	_ =	strace s9  }
0x27: {  	s1 =	sld [smem:$0x3FA8]  }
0x28: {  	s2 =	sld [smem:$0x3FA9]  }
0x29: {  	s4 =	sld [smem:$0x3FAB]  }
0x2a: {  	p0 =	seq.s32 s5, $0x0;
	s5 =	sld [smem:$0x3FAC]  }
0x2b: {  	s6 =	sld [smem:$0x3FAD]  }
0x2c: {  	s7 =	sld [smem:$0x3FAE]  }
0x2d: {  	s3 =	simm.s32 $0x108;
	s8 =	sld [smem:$0x3FAF]  }
0x2e: {  	s3 =	simm.s32 @!p0 $0x1082;
	s9 =	sld [smem:$0x3FB0]  }
0x2f: {  	lr =	sadd.s32 s0, s3;
	s0 =	sld [smem:$0x3FA7]  }
0x30: {  	s3 =	sld [smem:$0x3FAA]  }
0x31: {  	[smem:$0x3FB3] =	sst s10  }
0x32: {  	s10 =	sld [smem:$0x3FB1];
	_ =	sdelay $0x3  }
0x33: {  	p0 =	seq.s32 s10, $0x1;
	s10 =	sld [smem:$0x3FB3];
	_ =	sdelay $0x3  }
0x34: {  	[smem:$0x3FB3] =	sst s10  }
0x35: {  	s10 =	sld [smem:$0x3FB2];
	_ =	sdelay $0x3  }
0x36: {  	p1 =	seq.s32 s10, $0x1;
	s10 =	sld [smem:$0x3FB3];
	_ =	sdelay $0x3  }
0x37: {  	[smem:$0x3FB3] =	sst s10  }
0x38: {  	s10 =	sld [smem:$0x3FB4]  }
0x39: {  	_ = 	snop;
	(pc) =	sbr.ind lr, $3  }
0x3a: {  	_ = 	snop  }
0x3b: {  	_ = 	snop  }
0x3c: {  	p2 =	seq.s32 s10, $0x1;
	s10 =	sld [smem:$0x3FB3]  }
0x3d: {  	_ =	shalt  }
0x3e: {  	_ =	shalt  }
0x3f: {  	_ =	shalt  }
0x40: {  	_ =	shalt  }
0x41: {  	_ =	shalt  }
0x42: {  	_ =	shalt  }
0x43: {  	_ =	shalt  }
0x44: {  	_ =	shalt  }
0x45: {  	_ =	shalt  }
0x46: {  	_ =	shalt  }
0x47: {  	_ =	shalt  }
0x48: {  	_ =	shalt  }
0x49: {  	_ =	shalt  }
0x4a: {  	_ =	shalt  }
0x4b: {  	_ =	shalt  }
0x4c: {  	_ =	shalt  }
0x4d: {  	_ =	shalt  }
0x4e: {  	_ =	shalt  }
0x4f: {  	_ =	shalt  }
0x50: {  	_ =	shalt  }
0x51: {  	_ =	shalt  }
0x52: {  	_ =	shalt  }
0x53: {  	_ =	shalt  }
0x54: {  	_ =	shalt  }
0x55: {  	_ =	shalt  }
0x56: {  	_ =	shalt  }
0x57: {  	_ =	shalt  }
0x58: {  	_ =	shalt  }
0x59: {  	_ =	shalt  }
0x5a: {  	_ =	shalt  }
0x5b: {  	_ =	shalt  }
0x5c: {  	_ =	shalt  }
0x5d: {  	_ =	shalt  }
0x5e: {  	_ =	shalt  }
0x5f: {  	_ =	shalt  }
0x60: {  	_ =	shalt  }
0x61: {  	_ =	shalt  }
0x62: {  	_ =	shalt  }
0x63: {  	_ =	shalt  }
0x64: {  	_ =	shalt  }
0x65: {  	_ =	shalt  }
0x66: {  	_ =	shalt  }
0x67: {  	_ =	shalt  }
0x68: {  	_ =	shalt  }
0x69: {  	_ =	shalt  }
0x6a: {  	_ =	shalt  }
0x6b: {  	_ =	shalt  }
0x6c: {  	_ =	shalt  }
0x6d: {  	_ =	shalt  }
0x6e: {  	_ =	shalt  }
0x6f: {  	_ =	shalt  }
0x70: {  	_ =	shalt  }
0x71: {  	_ =	shalt  }
0x72: {  	_ =	shalt  }
0x73: {  	_ =	shalt  }
0x74: {  	_ =	shalt  }
0x75: {  	_ =	shalt  }
0x76: {  	_ =	shalt  }
0x77: {  	_ =	shalt  }
0x78: {  	_ =	shalt  }
0x79: {  	_ =	shalt  }
0x7a: {  	_ =	shalt  }
0x7b: {  	_ =	shalt  }
0x7c: {  	_ =	shalt  }
0x7d: {  	_ =	shalt  }
0x7e: {  	_ =	shalt  }
0x7f: {  	_ =	shalt  }
0x80: {  	_ =	shalt  }
0x81: {  	_ =	shalt  }
0x82: {  	_ =	shalt  }
0x83: {  	_ =	shalt  }
0x84: {  	_ =	shalt  }
0x85: {  	_ =	shalt  }
0x86: {  	_ =	shalt  }
0x87: {  	_ =	shalt  }
.Lfunc_end0:
.L_simem_size_0:
called_computation_lowered:
.L_overlay_start_0:
0x88: {  	s2 =	sld [smem:$0x3FD9]  }
0x89: {  	s3 =	sld [smem:$0x3FFE];
	_ =	sdelay $0x1  }
0x8a: {  	s1 =	srdreg.scid  }
0x8b: {  	s0 =	sand.u32 $0x1, s1  }
0x8c: {  	s16 =	sshll.u32 s0, $0xA;
	s2 =	sadd.s32 s3, s2  }
0x8d: {  	s2 =	sadd.s32 s2, s16  }
0x8e: {  	[smem:$0x3FBF] =	sst s2  }
0x8f: {  	_ = 	snop  }
0x90: {  	(tm) =	ssettm $0x1  }
0x91: {  	s17 =	sld [smem:$0x3FFB];
	_ =	sdelay $0x3  }
0x92: {  	_ =	strace s17  }
0x93: {  	s2 =	sld [smem:$0x3FFC];
	_ =	sdelay $0x3  }
0x94: {  	_ =	strace s2  }
0x95: {  	s2 =	sld [smem:$0x3FFD];
	_ =	sdelay $0x3  }
0x96: {  	_ =	strace s2  }
0x97: {  	_ =	strace $0x8FFFFFFF  }
0x98: {  	s18 =	sld [smem:$0x3FDB];
	_ =	sdelay $0x1  }
0x99: {  	s19 =	simm.s32 $_scs_section_size  }
0x9a: {  	s4 =	simm.s32 $_size__tile_overlayer_lowered;
	s5 =	simm.s32 $_tile_overlayer_lowered  }
0x9b: {  	s22 =	simm.s32 $0x1BFF;
	s21 =	sshll.u32 s5, $0x1;
	s2 =	sadd.s32 s19, s18  }
0x9c: {  	s6 =	simm.s32 $0x0;
	s20 =	sshll.u32 s4, $0x1;
	s4 =	sadd.s32 s21, s2  }
0x9d: {  	[timem:s6], [sflag:s22] =	dma.local [hbm:s4], s20  }
0x9e: {  	_ =	swait.ge [sflag:s22], s20  }
0x9f: {  	s3 =	ssub.s32 $0x0, s20;
	[sflag:s22] =	ssyncset.done $0x0  }
0xa0: {  	[sflag:s22] =	ssyncadd.s32 s3;
	_ =	sdelay $0x1  }
0xa1: {  	s23 =	simm.s32 $0x1B8B  }
0xa2: {  	_ =	swait.ge [sflag:s23], $0x1  }
0xa3: {  	[sflag:s23] =	ssyncset.done $0x0  }
0xa4: {  	s25 =	simm.s32 $0x1B8E;
	s24 =	sld [smem:$0x3FFE];
	[sflag:s23] =	ssyncadd.s32 $0xFFFFFFFF  }
0xa5: {  	s26 =	simm.s32 $execute0_lowered;
	[smem:$0x3FD2] =	sst s25  }
0xa6: {  	s4 =	sshll.u32 s26, $0x1;
	_ =	strace $0x80000046;
	[dreg:$0x1] =	wrdreg $0xFFFFFFFF  }
0xa7: {  	s28 =	simm.s32 $_size_execute0_lowered;
	s2 =	sadd.s32 s2, s4;
	[dreg:$0x0] =	wrdreg $0x0  }
0xa8: {  	s4 =	sshll.u32 s28, $0x1;
	[dreg:$0x2] =	wrdreg s2  }
0xa9: {  	[dreg:$0x3] =	wrdreg s4  }
0xaa: {  	[dreg:$0x4] =	wrdreg $0xC0  }
0xab: {  	_ =	task [dreg:s6], $0x5FFFF  }
0xac: {  	[dreg:$0x1] =	wrdreg $0xFFFFFFFF  }
0xad: {  	[dreg:$0x0] =	wrdreg $0x60  }
0xae: {  	[dreg:$0x2] =	wrdreg s24  }
0xaf: {  	[dreg:$0x3] =	wrdreg $0x2B000  }
0xb0: {  	[dreg:$0x4] =	wrdreg $0x9  }
0xb1: {  	_ =	task.clear_ibuf [dreg:s6], $0x5FFFF;
	_ =	strace $0x90000046  }
0xb2: {  	s29 =	simm.s32 $0x9;
	_ =	strace $0x80000048  }
0xb3: {  	_ =	swait.ge [sflag:s29], $0x1  }
0xb4: {  	[sflag:s29] =	ssyncadd.s32 $0xFFFFFFFF  }
0xb5: {  	_ =	strace $0x90000048  }
0xb6: {  	_ =	sfence  }
0xb7: {  	s30 =	sld [smem:$0x0];
	_ =	sdelay $0x2  }
0xb8: {  	s31 =	sshll.u32 s1, $0xD;
	s1 =	sshrl.u32 s1, $0x2  }
0xb9: {  	s3 =	sand.u32 $0x4000, s31;
	s1 =	sadd.s32 s1, s30  }
0xba: {  	s0 =	sor.u32 s3, s0;
	s1 =	sshll.u32 s1, $0x11  }
0xbb: {  	s0 =	sor.u32 s1, s0  }
0xbc: {  	s0 =	sadd.s32 $0x8F2B, s0  }
0xbd: {  	[sflag:s0] =	ssyncadd.remote.s32 $0x1  }
0xbe: {  	_ =	sfence.sel $0xFFFF  }
0xbf: {  	[dreg:$0x0] =	wrdreg $0xFFFFFFFF;
	(pc) =	sbr.abs _section_cstart, $3  }
0xc0: {  	[dreg:$0x1] =	wrdreg $0xFFFFFFFF  }
0xc1: {  	_ =	task.clear_ibuf [dreg:s6], $0x2FFFF;
	_ =	strace $0x9FFFFFFF  }
0xc2: {  	(tm) =	ssettm $0x7FFFFFFF  }
0xc3: {  	_ =	shalt  }
tec
execute0_lowered:
.L_overlay_start_1:
0x0: {  	(tag) =	ssettag $0x1  }
0x1: {  	s4 =	rddreg [dreg:$0x0]  }
0x2: {  	s2 =	rddreg [dreg:$0x1]  }
0x3: {  	s0 =	rddreg [dreg:$0x2]  }
0x4: {  	s1 =	stileid.u32;
	s3 =	simm.s32 $0x0;
	s6 =	srdreg.scid  }
0x5: {  	s11 =	simm.s32 $0x2800;
	s14 =	simm.s32 $0x0;
	s5 =	smul.u32 $0x500, s1  }
0x6: {  	[smem:$0x7FF] =	sst s3;
	s7 =	smul.u32 $0x280, s1;
	s10 =	sand.u32 $0x1, s6  }
0x7: {  	_ =	strace $0x80000047;
	s6 =	ssub.s32 $0x2, s10;
	p0 =	sne.s32 s10, $0x0  }
0x8: {  	s10 =	simm.s32 $0x80;
	s5 =	sadd.s32 s5, s4;
	s8 =	sshrl.u32 s7, $0x3  }
0x9: {  	s9 =	sshrl.u32 s6, $0x1;
	s12 =	sshll.u32 @!p0 s1, $0x6;
	s8 =	sadd.s32 s8, s4  }
0xa: {  	s9 =	ssub.s32 s6, s9;
	s4 =	sadd.s32 s7, s2;
	s5 =	sadd.s32 $0x2600, s5  }
0xb: {  	s12 =	sor.u32 @!p0 $0x1C01, s12;
	s6 =	sadd.s32 $0xC600, s8;
	s7 =	smax.u32 s9, $0x1  }
0xc: {  	v0 =	vimm.f32 $1.000000000e+00;
	v1 =	vimm.f32 $0.0e+00;
	s8 =	simm.s32 $0x2880;
	s9 =	simm.s32 $0x1;
	s13 =	sshrl.u32 @!p0 s4, $0x3  }
.LBB2_1:
0xd: {  	[tilespmem:$0x2800] =	vst v0  }
0xe: {  	[tilespmem:$0x2810] =	vst v0  }
0xf: {  	[tilespmem:$0x2820] =	vst v0  }
0x10: {  	[tilespmem:$0x2830] =	vst v0  }
0x11: {  	[tilespmem:$0x2840] =	vst v0  }
0x12: {  	[tilespmem:$0x2850] =	vst v0  }
0x13: {  	[tilespmem:$0x2860] =	vst v0  }
0x14: {  	[tilespmem:$0x2870] =	vst v0  }
0x15: {  	[tilespmem:$0x2880] =	vst v1  }
0x16: {  	[tilespmem:$0x2890] =	vst v1  }
0x17: {  	[tilespmem:$0x28A0] =	vst v1  }
0x18: {  	[tilespmem:$0x28B0] =	vst v1  }
0x19: {  	[tilespmem:$0x28C0] =	vst v1  }
0x1a: {  	[tilespmem:$0x28D0] =	vst v1  }
0x1b: {  	[tilespmem:$0x28E0] =	vst v1  }
0x1c: {  	[tilespmem:$0x28F0] =	vst v1  }
0x1d: {  	[tilespmem:$0x2900] =	vst v1  }
0x1e: {  	[tilespmem:$0x2910] =	vst v1  }
0x1f: {  	[tilespmem:$0x2920] =	vst v1  }
0x20: {  	[tilespmem:$0x2930] =	vst v1  }
0x21: {  	[tilespmem:$0x2940] =	vst v1  }
0x22: {  	[tilespmem:$0x2950] =	vst v1  }
0x23: {  	[tilespmem:$0x2960] =	vst v1  }
0x24: {  	[tilespmem:$0x2970] =	vst v1  }
0x25: {  	[tilespmem:$0x2980] =	vst v1  }
0x26: {  	[tilespmem:$0x2990] =	vst v1  }
0x27: {  	[tilespmem:$0x29A0] =	vst v1  }
0x28: {  	[tilespmem:$0x29B0] =	vst v1  }
0x29: {  	[tilespmem:$0x29C0] =	vst v1  }
0x2a: {  	[tilespmem:$0x29D0] =	vst v1  }
0x2b: {  	[tilespmem:$0x29E0] =	vst v1  }
0x2c: {  	[tilespmem:$0x29F0] =	vst v1  }
0x2d: {  	[tilespmem:$0x2A00] =	vst v1  }
0x2e: {  	[tilespmem:$0x2A10] =	vst v1  }
0x2f: {  	[tilespmem:$0x2A20] =	vst v1  }
0x30: {  	[tilespmem:$0x2A30] =	vst v1  }
0x31: {  	[tilespmem:$0x2A40] =	vst v1  }
0x32: {  	[tilespmem:$0x2A50] =	vst v1  }
0x33: {  	[tilespmem:$0x2A60] =	vst v1  }
0x34: {  	[tilespmem:$0x2A70] =	vst v1  }
0x35: {  	[tilespmem:$0x2A80] =	vst v1  }
0x36: {  	[tilespmem:$0x2A90] =	vst v1  }
0x37: {  	[tilespmem:$0x2AA0] =	vst v1  }
0x38: {  	[tilespmem:$0x2AB0] =	vst v1  }
0x39: {  	[tilespmem:$0x2AC0] =	vst v1  }
0x3a: {  	[tilespmem:$0x2AD0] =	vst v1  }
0x3b: {  	[tilespmem:$0x2AE0] =	vst v1  }
0x3c: {  	[tilespmem:$0x2AF0] =	vst v1  }
0x3d: {  	[spmem:s4] =	stream.linear.scatter [tilespmem:s8], [sflag:$0x1], $0x280, $0x38;
	[tilespmem:$0x2D80] =	vst v63  }
0x3e: {  	_ =	swait.ge [sflag:s9], $0x280  }
0x3f: {  	[sflag:s9] =	ssyncset.done $0x0  }
0x40: {  	[sflag:s9] =	ssyncadd.s32 $0xFFFFFD80  }
0x41: {  	[bflag:$0x0] =	sbarrier.arrive $0xFFFF  }
0x42: {  	[tilespmem:s3], [sflag:$0x1] =	stream.linear.gather [hbm4b:s5+s3], $0x2800, $0x38;
	[tilespmem:$0x2D80] =	vst v63  }
0x43: {  	_ =	swait.ge [sflag:s9], $0x2800  }
0x44: {  	[sflag:s9] =	ssyncset.done $0x0  }
0x45: {  	s15 =	simm.s32 $0x0;
	[sflag:s9] =	ssyncadd.s32 $0xFFFFD800  }
0x46: {  	[spmem:s2] =	stream.indirect.scatter.add.f32 [tilespmem:s11], [sflag:$0x1], $0x1, s15, s10, $0xb8;
	[tilespmem:$0x2D80] =	vst v63  }
0x47: {  	_ =	swait.ge [sflag:s9], $0x80  }
0x48: {  	s15 =	simm.s32 $0x200;
	[sflag:s9] =	ssyncset.done $0x0  }
.LBB2_2:
0x49: {  	s16 =	sshra.s32 s15, $0x2;
	[sflag:s9] =	ssyncadd.s32 $0xFFFFFF80;
	p1 =	sne.s32 s15, $0x9E00  }
0x4a: {  	[spmem:s2] =	stream.indirect.scatter.add.f32 [tilespmem:s11], [sflag:$0x1], $0x1, s16, s10, $0xb8;
	[tilespmem:$0x2D80] =	vst v63  }
.Ltmp0:
0x4b: {  	_ = 	snop;
	(pc) =	sbr.rel @p1 .LBB2_2-.Ltmp0, $4  }
0x4c: {  	_ = 	snop  }
0x4d: {  	s15 =	sadd.s32 $0x200, s15  }
0x4e: {  	_ =	swait.ge [sflag:s9], $0x80  }
0x4f: {  	[sflag:s9] =	ssyncset.done $0x0  }
0x50: {  	s14 =	sadd.s32 $0x1, s14  }
0x51: {  	[sflag:s9] =	ssyncadd.s32 $0xFFFFFF80;
	p1 =	sne.s32 s14, s7  }
.Ltmp1:
0x52: {  	s15 =	simm.s32 @!p0 $0x1;
	[bflag:$0x0] =	sbarrier.arrive $0xFFFF;
	(pc) =	sbr.rel @p1 .LBB2_1-.Ltmp1, $4  }
0x53: {  	[hbm:s6], [sflag:s12] =	dma.local @!p0 [spmem:s13], $0x50  }
0x54: {  	_ =	swait.ge @!p0 [sflag:s15], $0x50  }
0x55: {  	[sflag:s15] =	ssyncset.done @!p0 $0x0  }
0x56: {  	[sflag:s15] =	ssyncadd.s32 @!p0 $0xFFFFFFB0  }
0x57: {  	_ =	sfence.sel $0x180000  }
0x58: {  	[bflag:$0x0] =	sbarrier.arrive $0xFFFF  }
0x59: {  	p0 =	sne.s32 s1, $0x0;
	_ =	strace $0x90000047  }
0x5a: {  	s0 =	sadd.s32 @!p0 $0x100000, s0;
	[bflag:$0x2] =	sbarrier.arrive $0xFFFF  }
0x5b: {  	[sflag:s0] =	ssyncadd.tile.s32 @!p0 $0x1;
	_ =	shalt  }
.Lfunc_end2:
_tile_overlayer_lowered:
.L_overlay_start_2:
0x5c: {  	(tag) =	ssettag $0x2  }
0x5d: {  	s0 =	rddreg [dreg:$0x0];
	s2 =	stileid.u32  }
0x5e: {  	s1 =	rddreg [dreg:$0x1];
	p0 =	sne.s32 s2, $0x0  }
0x5f: {  	s3 =	rddreg [dreg:$0x2];
	[bflag:$0x3] =	sbarrier.arrive $0xFFFF;
	s2 =	simm.s32 @!p0 $0x1C01  }
0x60: {  	[timem:s3], [sflag:s2] =	dma.local @!p0 [hbm:s0], s1  }
0x61: {  	s0 =	simm.s32 @!p0 $0x1  }
0x62: {  	_ =	swait.ge @!p0 [sflag:s0], s1  }
0x63: {  	s1 =	ssub.s32 @!p0 $0x0, s1;
	[sflag:s0] =	ssyncset.done @!p0 $0x0  }
0x64: {  	[sflag:s0] =	ssyncadd.s32 @!p0 s1  }
0x65: {  	[bflag:$0x3] =	sbarrier.arrive $0xFFFF  }
0x66: {  	_ =	shalt  }

// kernel: kernel.13.cloned.1.call-start
scs
__scs_entry_jumppad:
0x0: {  	(pc) =	sbr.rel $0x88, $3  }
0x1: {  	(tag) =	ssettag $0x0;
	lr =	simm.s32 $0x1  }
0x2: {  	[smem:$0x3F98] =	sst lr;
	_ =	strace $0xD0000000  }
0x3: {  	_ = 	snop  }
0x4: {  	_ = 	snop  }
0x5: {  	_ = 	snop  }
0x6: {  	_ = 	snop  }
0x7: {  	_ = 	snop  }
__scs_overlays_trampoline_lowered:
0x8: {  	[smem:$0x3FA7] =	sst s0  }
0x9: {  	[smem:$0x3FA8] =	sst s1  }
0xa: {  	[smem:$0x3FA9] =	sst s2  }
0xb: {  	[smem:$0x3FAA] =	sst s3  }
0xc: {  	[smem:$0x3FAB] =	sst s4  }
0xd: {  	[smem:$0x3FAC] =	sst s5  }
0xe: {  	[smem:$0x3FAD] =	sst s6  }
0xf: {  	[smem:$0x3FAE] =	sst s7  }
0x10: {  	[smem:$0x3FAF] =	sst s8  }
0x11: {  	[smem:$0x3FB0] =	sst s9;
	s0 =	simm.s32 @!p0 $0x0  }
0x12: {  	s1 =	sld [smem:$0x3F96];
	s0 =	simm.s32 @p0 $0x1  }
0x13: {  	[smem:$0x3FB1] =	sst s0;
	s0 =	simm.s32 @!p1 $0x0  }
0x14: {  	s2 =	sld [smem:$0x3F95];
	s0 =	simm.s32 @p1 $0x1  }
0x15: {  	[smem:$0x3FB2] =	sst s0;
	s0 =	simm.s32 @!p2 $0x0  }
0x16: {  	s3 =	sld [smem:$0x3FDB];
	s0 =	simm.s32 @p2 $0x1  }
0x17: {  	s4 =	simm.s32 $0x1BF5;
	[smem:$0x3FB4] =	sst s0  }
0x18: {  	s0 =	sld [smem:$0x3F97];
	_ =	swait.ge [sflag:s4], $0x0  }
0x19: {  	s7 =	sld [smem:$0x3F98]  }
0x1a: {  	s8 =	sadd.s32 $0xFFFFE003, lr  }
0x1b: {  	s9 =	sadd.s32 $0xFFFFFEF7, lr;
	s5 =	simm.s32 $0xFFFFFFFF;
	p2 =	slt.u32 s8, $0xFFFFF086  }
0x1c: {  	p1 =	slt.u32 s9, $0xF7A;
	s5 =	simm.s32 @!p2 $0x0  }
0x1d: {  	s5 =	simm.s32 @p1 $0x1;
	p0 =	seq.s32 s7, s2  }
0x1e: {  	s7 =	smul.u32 @!p0 $0xF7A, s2;
	p2 =	seq.s32 @!p0 s5, $0x0  }
0x1f: {  	s9 =	smul.u32 $0xF7A, s1;
	s8 =	simm.s32 @!p0 $0x1BF5;
	p2 =	por !p2, p0  }
0x20: {  	[sflag:s8] =	ssyncset.s32 @!p0 $0xFFFFF086;
	s6 =	sadd.s32 @!p0 s3, s7;
	s7 =	simm.s32 @!p0 $0x108  }
0x21: {  	s3 =	sadd.s32 s3, s9;
	s6 =	sadd.s32 @!p0 $0x88, s6;
	s7 =	simm.s32 @p2 $0x1082  }
0x22: {  	[simem:s7], [sflag:s8] =	dma.local @!p0 [hbm:s6], $0xF7A  }
0x23: {  	s9 =	sor.u32 $0xD0000000, s2;
	s6 =	simm.s32 $0x108;
	_ =	swait.ge @!p0 [sflag:s8], $0x0  }
0x24: {  	s3 =	sadd.s32 $0x88, s3;
	s6 =	simm.s32 @!p1 $0x1082;
	[sflag:s4] =	ssyncset.s32 $0xFFFFF086  }
0x25: {  	[simem:s6], [sflag:s4] =	dma.local [hbm:s3], $0xF7A  }
0x26: {  	[smem:$0x3F98] =	sst s1;
	(tag) =	ssettag s2;
	_ =	strace s9  }
0x27: {  	s1 =	sld [smem:$0x3FA8]  }
0x28: {  	s2 =	sld [smem:$0x3FA9]  }
0x29: {  	s4 =	sld [smem:$0x3FAB]  }
0x2a: {  	p0 =	seq.s32 s5, $0x0;
	s5 =	sld [smem:$0x3FAC]  }
0x2b: {  	s6 =	sld [smem:$0x3FAD]  }
0x2c: {  	s7 =	sld [smem:$0x3FAE]  }
0x2d: {  	s3 =	simm.s32 $0x108;
	s8 =	sld [smem:$0x3FAF]  }
0x2e: {  	s3 =	simm.s32 @!p0 $0x1082;
	s9 =	sld [smem:$0x3FB0]  }
0x2f: {  	lr =	sadd.s32 s0, s3;
	s0 =	sld [smem:$0x3FA7]  }
0x30: {  	s3 =	sld [smem:$0x3FAA]  }
0x31: {  	[smem:$0x3FB3] =	sst s10  }
0x32: {  	s10 =	sld [smem:$0x3FB1];
	_ =	sdelay $0x3  }
0x33: {  	p0 =	seq.s32 s10, $0x1;
	s10 =	sld [smem:$0x3FB3];
	_ =	sdelay $0x3  }
0x34: {  	[smem:$0x3FB3] =	sst s10  }
0x35: {  	s10 =	sld [smem:$0x3FB2];
	_ =	sdelay $0x3  }
0x36: {  	p1 =	seq.s32 s10, $0x1;
	s10 =	sld [smem:$0x3FB3];
	_ =	sdelay $0x3  }
0x37: {  	[smem:$0x3FB3] =	sst s10  }
0x38: {  	s10 =	sld [smem:$0x3FB4]  }
0x39: {  	_ = 	snop;
	(pc) =	sbr.ind lr, $3  }
0x3a: {  	_ = 	snop  }
0x3b: {  	_ = 	snop  }
0x3c: {  	p2 =	seq.s32 s10, $0x1;
	s10 =	sld [smem:$0x3FB3]  }
0x3d: {  	_ =	shalt  }
0x3e: {  	_ =	shalt  }
0x3f: {  	_ =	shalt  }
0x40: {  	_ =	shalt  }
0x41: {  	_ =	shalt  }
0x42: {  	_ =	shalt  }
0x43: {  	_ =	shalt  }
0x44: {  	_ =	shalt  }
0x45: {  	_ =	shalt  }
0x46: {  	_ =	shalt  }
0x47: {  	_ =	shalt  }
0x48: {  	_ =	shalt  }
0x49: {  	_ =	shalt  }
0x4a: {  	_ =	shalt  }
0x4b: {  	_ =	shalt  }
0x4c: {  	_ =	shalt  }
0x4d: {  	_ =	shalt  }
0x4e: {  	_ =	shalt  }
0x4f: {  	_ =	shalt  }
0x50: {  	_ =	shalt  }
0x51: {  	_ =	shalt  }
0x52: {  	_ =	shalt  }
0x53: {  	_ =	shalt  }
0x54: {  	_ =	shalt  }
0x55: {  	_ =	shalt  }
0x56: {  	_ =	shalt  }
0x57: {  	_ =	shalt  }
0x58: {  	_ =	shalt  }
0x59: {  	_ =	shalt  }
0x5a: {  	_ =	shalt  }
0x5b: {  	_ =	shalt  }
0x5c: {  	_ =	shalt  }
0x5d: {  	_ =	shalt  }
0x5e: {  	_ =	shalt  }
0x5f: {  	_ =	shalt  }
0x60: {  	_ =	shalt  }
0x61: {  	_ =	shalt  }
0x62: {  	_ =	shalt  }
0x63: {  	_ =	shalt  }
0x64: {  	_ =	shalt  }
0x65: {  	_ =	shalt  }
0x66: {  	_ =	shalt  }
0x67: {  	_ =	shalt  }
0x68: {  	_ =	shalt  }
0x69: {  	_ =	shalt  }
0x6a: {  	_ =	shalt  }
0x6b: {  	_ =	shalt  }
0x6c: {  	_ =	shalt  }
0x6d: {  	_ =	shalt  }
0x6e: {  	_ =	shalt  }
0x6f: {  	_ =	shalt  }
0x70: {  	_ =	shalt  }
0x71: {  	_ =	shalt  }
0x72: {  	_ =	shalt  }
0x73: {  	_ =	shalt  }
0x74: {  	_ =	shalt  }
0x75: {  	_ =	shalt  }
0x76: {  	_ =	shalt  }
0x77: {  	_ =	shalt  }
0x78: {  	_ =	shalt  }
0x79: {  	_ =	shalt  }
0x7a: {  	_ =	shalt  }
0x7b: {  	_ =	shalt  }
0x7c: {  	_ =	shalt  }
0x7d: {  	_ =	shalt  }
0x7e: {  	_ =	shalt  }
0x7f: {  	_ =	shalt  }
0x80: {  	_ =	shalt  }
0x81: {  	_ =	shalt  }
0x82: {  	_ =	shalt  }
0x83: {  	_ =	shalt  }
0x84: {  	_ =	shalt  }
0x85: {  	_ =	shalt  }
0x86: {  	_ =	shalt  }
0x87: {  	_ =	shalt  }
.Lfunc_end0:
.L_simem_size_0:
called_computation.1_lowered:
.L_overlay_start_0:
0x88: {  	s2 =	sld [smem:$0x3FD9]  }
0x89: {  	s3 =	sld [smem:$0x3FFE];
	_ =	sdelay $0x1  }
0x8a: {  	s1 =	srdreg.scid  }
0x8b: {  	s0 =	sand.u32 $0x1, s1  }
0x8c: {  	s16 =	sshll.u32 s0, $0xA;
	s2 =	sadd.s32 s3, s2  }
0x8d: {  	s2 =	sadd.s32 s2, s16  }
0x8e: {  	[smem:$0x3FBF] =	sst s2  }
0x8f: {  	_ = 	snop  }
0x90: {  	(tm) =	ssettm $0x1  }
0x91: {  	s17 =	sld [smem:$0x3FFB];
	_ =	sdelay $0x3  }
0x92: {  	_ =	strace s17  }
0x93: {  	s2 =	sld [smem:$0x3FFC];
	_ =	sdelay $0x3  }
0x94: {  	_ =	strace s2  }
0x95: {  	s2 =	sld [smem:$0x3FFD];
	_ =	sdelay $0x3  }
0x96: {  	_ =	strace s2  }
0x97: {  	_ =	strace $0x8FFFFFFF  }
0x98: {  	s18 =	sld [smem:$0x3FDB];
	_ =	sdelay $0x1  }
0x99: {  	s19 =	simm.s32 $_scs_section_size  }
0x9a: {  	s4 =	simm.s32 $_size__tile_overlayer_lowered;
	s5 =	simm.s32 $_tile_overlayer_lowered  }
0x9b: {  	s22 =	simm.s32 $0x1BFF;
	s21 =	sshll.u32 s5, $0x1;
	s2 =	sadd.s32 s19, s18  }
0x9c: {  	s6 =	simm.s32 $0x0;
	s20 =	sshll.u32 s4, $0x1;
	s4 =	sadd.s32 s21, s2  }
0x9d: {  	[timem:s6], [sflag:s22] =	dma.local [hbm:s4], s20  }
0x9e: {  	_ =	swait.ge [sflag:s22], s20  }
0x9f: {  	s3 =	ssub.s32 $0x0, s20;
	[sflag:s22] =	ssyncset.done $0x0  }
0xa0: {  	[sflag:s22] =	ssyncadd.s32 s3;
	_ =	sdelay $0x1  }
0xa1: {  	s23 =	simm.s32 $0x1B8B  }
0xa2: {  	_ =	swait.ge [sflag:s23], $0x1  }
0xa3: {  	[sflag:s23] =	ssyncset.done $0x0  }
0xa4: {  	s25 =	simm.s32 $0x1B8E;
	s24 =	sld [smem:$0x3FFE];
	[sflag:s23] =	ssyncadd.s32 $0xFFFFFFFF  }
0xa5: {  	s26 =	simm.s32 $execute0_lowered;
	[smem:$0x3FD2] =	sst s25  }
0xa6: {  	s4 =	sshll.u32 s26, $0x1;
	_ =	strace $0x80000049;
	[dreg:$0x1] =	wrdreg $0xFFFFFFFF  }
0xa7: {  	s28 =	simm.s32 $_size_execute0_lowered;
	s2 =	sadd.s32 s2, s4;
	[dreg:$0x0] =	wrdreg $0x0  }
0xa8: {  	s4 =	sshll.u32 s28, $0x1;
	[dreg:$0x2] =	wrdreg s2  }
0xa9: {  	[dreg:$0x3] =	wrdreg s4  }
0xaa: {  	[dreg:$0x4] =	wrdreg $0xC0  }
0xab: {  	_ =	task [dreg:s6], $0x5FFFF  }
0xac: {  	[dreg:$0x1] =	wrdreg $0xFFFFFFFF  }
0xad: {  	[dreg:$0x0] =	wrdreg $0x60  }
0xae: {  	[dreg:$0x2] =	wrdreg s24  }
0xaf: {  	[dreg:$0x3] =	wrdreg $0x150000  }
0xb0: {  	[dreg:$0x4] =	wrdreg $0x9  }
0xb1: {  	_ =	task.clear_ibuf [dreg:s6], $0x5FFFF;
	_ =	strace $0x90000049  }
0xb2: {  	s29 =	simm.s32 $0x9;
	_ =	strace $0x8000004B  }
0xb3: {  	_ =	swait.ge [sflag:s29], $0x1  }
0xb4: {  	[sflag:s29] =	ssyncadd.s32 $0xFFFFFFFF  }
0xb5: {  	_ =	strace $0x9000004B  }
0xb6: {  	_ =	sfence  }
0xb7: {  	s30 =	sld [smem:$0x0];
	_ =	sdelay $0x2  }
0xb8: {  	s31 =	sshll.u32 s1, $0xD;
	s1 =	sshrl.u32 s1, $0x2  }
0xb9: {  	s3 =	sand.u32 $0x4000, s31;
	s1 =	sadd.s32 s1, s30  }
0xba: {  	s0 =	sor.u32 s3, s0;
	s1 =	sshll.u32 s1, $0x11  }
0xbb: {  	s0 =	sor.u32 s1, s0  }
0xbc: {  	s0 =	sadd.s32 $0x8F2B, s0  }
0xbd: {  	[sflag:s0] =	ssyncadd.remote.s32 $0x1  }
0xbe: {  	_ =	sfence.sel $0xFFFF  }
0xbf: {  	[dreg:$0x0] =	wrdreg $0xFFFFFFFF;
	(pc) =	sbr.abs _section_cstart, $3  }
0xc0: {  	[dreg:$0x1] =	wrdreg $0xFFFFFFFF  }
0xc1: {  	_ =	task.clear_ibuf [dreg:s6], $0x2FFFF;
	_ =	strace $0x9FFFFFFF  }
0xc2: {  	(tm) =	ssettm $0x7FFFFFFF  }
0xc3: {  	_ =	shalt  }
tec
execute0_lowered:
.L_overlay_start_1:
0x0: {  	(tag) =	ssettag $0x1  }
0x1: {  	s5 =	rddreg [dreg:$0x0];
	s1 =	srdreg.scid  }
0x2: {  	s0 =	stileid.u32;
	s2 =	rddreg [dreg:$0x1];
	s3 =	simm.s32 $0x0  }
0x3: {  	s14 =	simm.s32 $0x80;
	s15 =	simm.s32 $0x0;
	s7 =	smul.u32 $0x2800, s0  }
0x4: {  	s6 =	sand.u32 $0x1, s1;
	s1 =	rddreg [dreg:$0x2];
	s8 =	smul.u32 $0x14000, s0  }
0x5: {  	[smem:$0x7FF] =	sst s3;
	s31 =	sshll.u32 s0, $0x6;
	s4 =	smul.u32 $0x28000, s6  }
0x6: {  	_ =	strace $0x8000004A;
	s10 =	smul.u32 $0x140000, s6;
	s6 =	ssub.s32 $0x2, s6  }
0x7: {  	s11 =	sshrl.u32 s8, $0x4;
	s29 =	sshrl.u32 s6, $0x1;
	s30 =	sshrl.u32 s8, $0x1  }
0x8: {  	s9 =	sadd.s32 s7, s4;
	s4 =	sadd.s32 $0x2AC00, s5;
	s7 =	sshrl.u32 s7, $0x3  }
0x9: {  	s10 =	sadd.s32 s8, s10;
	s11 =	sadd.s32 s11, s5;
	s12 =	ssub.s32 s6, s29  }
0xa: {  	s13 =	sadd.s32 s30, s2;
	s9 =	sshrl.u32 s9, $0x3;
	s7 =	sadd.s32 s7, s5  }
0xb: {  	s10 =	sshrl.u32 s10, $0x4;
	s6 =	sadd.s32 $0xCC00, s11;
	s11 =	simm.s32 $0x11  }
0xc: {  	s13 =	sshrl.u32 s13, $0x3;
	s9 =	sadd.s32 s9, s5;
	s10 =	sadd.s32 s10, s5  }
0xd: {  	s5 =	sadd.s32 $0x7600, s7;
	s7 =	sadd.s32 $0x20C00, s9;
	s8 =	sadd.s32 $0x52C00, s10  }
0xe: {  	s9 =	smax.u32 s12, $0x1;
	s10 =	simm.s32 $0x2800;
	s12 =	sor.u32 $0x1C11, s31  }
.LBB2_1:
0xf: {  	[tilespmem:s10], [sflag:$0x11] =	stream.linear.gather [hbm4b:s5+s3], $0x2800, $0x38;
	[tilespmem:$0x1F000] =	vst v63  }
0x10: {  	_ =	swait.ge [sflag:s11], $0x2800  }
0x11: {  	[sflag:s11] =	ssyncset.done $0x0  }
0x12: {  	[sflag:s11] =	ssyncadd.s32 $0xFFFFD800  }
0x13: {  	[spmem:s13], [sflag:s12] =	dma.local [hbm:s6], $0x1400  }
0x14: {  	_ =	swait.ge [sflag:s11], $0x1400  }
0x15: {  	[sflag:s11] =	ssyncset.done $0x0  }
0x16: {  	[sflag:s11] =	ssyncadd.s32 $0xFFFFEC00  }
0x17: {  	[tilespmem:s3], [sflag:$0x11] =	stream.linear.gather [hbm4b:s7+s3], $0x2800, $0x38;
	[tilespmem:$0x1F000] =	vst v63  }
0x18: {  	_ =	swait.ge [sflag:s11], $0x2800  }
0x19: {  	[sflag:s11] =	ssyncset.done $0x0  }
0x1a: {  	s16 =	simm.s32 $0x2600;
	[sflag:s11] =	ssyncadd.s32 $0xFFFFD800  }
0x1b: {  	s17 =	simm.s32 $0x0;
	s18 =	simm.s32 $0x0;
	[bflag:$0x0] =	sbarrier.arrive $0xFFFF  }
.LBB2_2:
0x1c: {  	s19 =	sand.u32 $0x7, s18;
	p0 =	slt.u32 s18, $0x8  }
0x1d: {  	s20 =	sadd.s32 @!p0 $0x9, s19  }
0x1e: {  	p1 =	sgt.u32 @!p0 s18, $0x4F;
	_ =	swait.ge @!p0 [sflag:s20], $0x2000  }
0x1f: {  	s31 =	sadd.s32 $0xFFFFFFFC, s18;
	p1 =	por p0, !p1;
	[sflag:s20] =	ssyncset.done @!p0 $0x0  }
0x20: {  	[sflag:s20] =	ssyncadd.s32 @!p0 $0xFFFFE000;
	s20 =	sshll.u32 @p1 s19, $0xD;
	p0 =	sgt.u32 s31, $0x4F  }
0x21: {  	s21 =	sadd.s32 @p1 $0x1, s19;
	s20 =	sadd.s32 @p1 $0x5000, s20;
	s19 =	sxor.u32 @!p0 $0x4, s19  }
0x22: {  	[tilespmem:s20], [sflag:s21] =	stream.indirect.gather @p1 [hbm4b:s4+s14], $0x40, s17, s14, $0xb8;
	[tilespmem:$0x1F000] =	vst v63  }
0x23: {  	s20 =	sadd.s32 @!p0 $0x1, s19  }
0x24: {  	s18 =	sadd.s32 $0x1, s18;
	_ =	swait.ge @!p0 [sflag:s20], $0x2000  }
0x25: {  	s21 =	sshll.u32 @!p0 s19, $0xD;
	s19 =	sadd.s32 @!p0 $0x9, s19;
	[sflag:s20] =	ssyncset.done @!p0 $0x0  }
0x26: {  	s21 =	sadd.s32 @!p0 $0x5000, s21;
	[sflag:s20] =	ssyncadd.s32 @!p0 $0xFFFFE000;
	s20 =	simm.s32 @!p0 $0x80  }
0x27: {  	[spmem:s2] =	stream.indirect.scatter.add.bf16 @!p0 [tilespmem:s21], [sflag:s19], $0x40, s16, s20, $0xb8;
	[tilespmem:$0x1F000] =	vst v63  }
0x28: {  	p0 =	sne.s32 s18, $0x58  }
.Ltmp0:
0x29: {  	_ = 	snop;
	(pc) =	sbr.rel @p0 .LBB2_2-.Ltmp0, $2  }
0x2a: {  	_ =	sdelay $0x2  }
0x2b: {  	s17 =	sadd.s32 $0x80, s17;
	s16 =	sadd.s32 $0x80, s16  }
0x2c: {  	s15 =	sadd.s32 $0x1, s15  }
0x2d: {  	p0 =	sne.s32 s15, s9  }
.Ltmp1:
0x2e: {  	[bflag:$0x0] =	sbarrier.arrive $0xFFFF;
	(pc) =	sbr.rel @p0 .LBB2_1-.Ltmp1, $4  }
0x2f: {  	[hbm:s8], [sflag:s12] =	dma.local [spmem:s13], $0x1400  }
0x30: {  	_ =	swait.ge [sflag:s11], $0x1400  }
0x31: {  	[sflag:s11] =	ssyncset.done $0x0  }
0x32: {  	[sflag:s11] =	ssyncadd.s32 $0xFFFFEC00  }
0x33: {  	_ =	sfence.sel $0x180000  }
0x34: {  	[bflag:$0x0] =	sbarrier.arrive $0xFFFF  }
0x35: {  	p0 =	sne.s32 s0, $0x0;
	_ =	strace $0x9000004A  }
0x36: {  	s0 =	sadd.s32 @!p0 $0x100000, s1;
	[bflag:$0x2] =	sbarrier.arrive $0xFFFF  }
0x37: {  	[sflag:s0] =	ssyncadd.tile.s32 @!p0 $0x1;
	_ =	shalt  }
.Lfunc_end2:
_tile_overlayer_lowered:
.L_overlay_start_2:
0x38: {  	(tag) =	ssettag $0x2  }
0x39: {  	s0 =	rddreg [dreg:$0x0];
	s2 =	stileid.u32  }
0x3a: {  	s1 =	rddreg [dreg:$0x1];
	p0 =	sne.s32 s2, $0x0  }
0x3b: {  	s3 =	rddreg [dreg:$0x2];
	[bflag:$0x3] =	sbarrier.arrive $0xFFFF;
	s2 =	simm.s32 @!p0 $0x1C11  }
0x3c: {  	[timem:s3], [sflag:s2] =	dma.local @!p0 [hbm:s0], s1  }
0x3d: {  	s0 =	simm.s32 @!p0 $0x11  }
0x3e: {  	_ =	swait.ge @!p0 [sflag:s0], s1  }
0x3f: {  	s1 =	ssub.s32 @!p0 $0x0, s1;
	[sflag:s0] =	ssyncset.done @!p0 $0x0  }
0x40: {  	[sflag:s0] =	ssyncadd.s32 @!p0 s1  }
0x41: {  	[bflag:$0x3] =	sbarrier.arrive $0xFFFF  }
0x42: {  	_ =	shalt  }

// kernel: kernel.16.cloned.1.call-start
scs
__scs_entry_jumppad:
0x0: {  	(pc) =	sbr.rel $0x88, $3  }
0x1: {  	(tag) =	ssettag $0x0;
	lr =	simm.s32 $0x1  }
0x2: {  	[smem:$0x3F98] =	sst lr;
	_ =	strace $0xD0000000  }
0x3: {  	_ = 	snop  }
0x4: {  	_ = 	snop  }
0x5: {  	_ = 	snop  }
0x6: {  	_ = 	snop  }
0x7: {  	_ = 	snop  }
__scs_overlays_trampoline_lowered:
0x8: {  	[smem:$0x3FA7] =	sst s0  }
0x9: {  	[smem:$0x3FA8] =	sst s1  }
0xa: {  	[smem:$0x3FA9] =	sst s2  }
0xb: {  	[smem:$0x3FAA] =	sst s3  }
0xc: {  	[smem:$0x3FAB] =	sst s4  }
0xd: {  	[smem:$0x3FAC] =	sst s5  }
0xe: {  	[smem:$0x3FAD] =	sst s6  }
0xf: {  	[smem:$0x3FAE] =	sst s7  }
0x10: {  	[smem:$0x3FAF] =	sst s8  }
0x11: {  	[smem:$0x3FB0] =	sst s9;
	s0 =	simm.s32 @!p0 $0x0  }
0x12: {  	s1 =	sld [smem:$0x3F96];
	s0 =	simm.s32 @p0 $0x1  }
0x13: {  	[smem:$0x3FB1] =	sst s0;
	s0 =	simm.s32 @!p1 $0x0  }
0x14: {  	s2 =	sld [smem:$0x3F95];
	s0 =	simm.s32 @p1 $0x1  }
0x15: {  	[smem:$0x3FB2] =	sst s0;
	s0 =	simm.s32 @!p2 $0x0  }
0x16: {  	s3 =	sld [smem:$0x3FDB];
	s0 =	simm.s32 @p2 $0x1  }
0x17: {  	s4 =	simm.s32 $0x1BF5;
	[smem:$0x3FB4] =	sst s0  }
0x18: {  	s0 =	sld [smem:$0x3F97];
	_ =	swait.ge [sflag:s4], $0x0  }
0x19: {  	s7 =	sld [smem:$0x3F98]  }
0x1a: {  	s8 =	sadd.s32 $0xFFFFE003, lr  }
0x1b: {  	s9 =	sadd.s32 $0xFFFFFEF7, lr;
	s5 =	simm.s32 $0xFFFFFFFF;
	p2 =	slt.u32 s8, $0xFFFFF086  }
0x1c: {  	p1 =	slt.u32 s9, $0xF7A;
	s5 =	simm.s32 @!p2 $0x0  }
0x1d: {  	s5 =	simm.s32 @p1 $0x1;
	p0 =	seq.s32 s7, s2  }
0x1e: {  	s7 =	smul.u32 @!p0 $0xF7A, s2;
	p2 =	seq.s32 @!p0 s5, $0x0  }
0x1f: {  	s9 =	smul.u32 $0xF7A, s1;
	s8 =	simm.s32 @!p0 $0x1BF5;
	p2 =	por !p2, p0  }
0x20: {  	[sflag:s8] =	ssyncset.s32 @!p0 $0xFFFFF086;
	s6 =	sadd.s32 @!p0 s3, s7;
	s7 =	simm.s32 @!p0 $0x108  }
0x21: {  	s3 =	sadd.s32 s3, s9;
	s6 =	sadd.s32 @!p0 $0x88, s6;
	s7 =	simm.s32 @p2 $0x1082  }
0x22: {  	[simem:s7], [sflag:s8] =	dma.local @!p0 [hbm:s6], $0xF7A  }
0x23: {  	s9 =	sor.u32 $0xD0000000, s2;
	s6 =	simm.s32 $0x108;
	_ =	swait.ge @!p0 [sflag:s8], $0x0  }
0x24: {  	s3 =	sadd.s32 $0x88, s3;
	s6 =	simm.s32 @!p1 $0x1082;
	[sflag:s4] =	ssyncset.s32 $0xFFFFF086  }
0x25: {  	[simem:s6], [sflag:s4] =	dma.local [hbm:s3], $0xF7A  }
0x26: {  	[smem:$0x3F98] =	sst s1;
	(tag) =	ssettag s2;
	_ =	strace s9  }
0x27: {  	s1 =	sld [smem:$0x3FA8]  }
0x28: {  	s2 =	sld [smem:$0x3FA9]  }
0x29: {  	s4 =	sld [smem:$0x3FAB]  }
0x2a: {  	p0 =	seq.s32 s5, $0x0;
	s5 =	sld [smem:$0x3FAC]  }
0x2b: {  	s6 =	sld [smem:$0x3FAD]  }
0x2c: {  	s7 =	sld [smem:$0x3FAE]  }
0x2d: {  	s3 =	simm.s32 $0x108;
	s8 =	sld [smem:$0x3FAF]  }
0x2e: {  	s3 =	simm.s32 @!p0 $0x1082;
	s9 =	sld [smem:$0x3FB0]  }
0x2f: {  	lr =	sadd.s32 s0, s3;
	s0 =	sld [smem:$0x3FA7]  }
0x30: {  	s3 =	sld [smem:$0x3FAA]  }
0x31: {  	[smem:$0x3FB3] =	sst s10  }
0x32: {  	s10 =	sld [smem:$0x3FB1];
	_ =	sdelay $0x3  }
0x33: {  	p0 =	seq.s32 s10, $0x1;
	s10 =	sld [smem:$0x3FB3];
	_ =	sdelay $0x3  }
0x34: {  	[smem:$0x3FB3] =	sst s10  }
0x35: {  	s10 =	sld [smem:$0x3FB2];
	_ =	sdelay $0x3  }
0x36: {  	p1 =	seq.s32 s10, $0x1;
	s10 =	sld [smem:$0x3FB3];
	_ =	sdelay $0x3  }
0x37: {  	[smem:$0x3FB3] =	sst s10  }
0x38: {  	s10 =	sld [smem:$0x3FB4]  }
0x39: {  	_ = 	snop;
	(pc) =	sbr.ind lr, $3  }
0x3a: {  	_ = 	snop  }
0x3b: {  	_ = 	snop  }
0x3c: {  	p2 =	seq.s32 s10, $0x1;
	s10 =	sld [smem:$0x3FB3]  }
0x3d: {  	_ =	shalt  }
0x3e: {  	_ =	shalt  }
0x3f: {  	_ =	shalt  }
0x40: {  	_ =	shalt  }
0x41: {  	_ =	shalt  }
0x42: {  	_ =	shalt  }
0x43: {  	_ =	shalt  }
0x44: {  	_ =	shalt  }
0x45: {  	_ =	shalt  }
0x46: {  	_ =	shalt  }
0x47: {  	_ =	shalt  }
0x48: {  	_ =	shalt  }
0x49: {  	_ =	shalt  }
0x4a: {  	_ =	shalt  }
0x4b: {  	_ =	shalt  }
0x4c: {  	_ =	shalt  }
0x4d: {  	_ =	shalt  }
0x4e: {  	_ =	shalt  }
0x4f: {  	_ =	shalt  }
0x50: {  	_ =	shalt  }
0x51: {  	_ =	shalt  }
0x52: {  	_ =	shalt  }
0x53: {  	_ =	shalt  }
0x54: {  	_ =	shalt  }
0x55: {  	_ =	shalt  }
0x56: {  	_ =	shalt  }
0x57: {  	_ =	shalt  }
0x58: {  	_ =	shalt  }
0x59: {  	_ =	shalt  }
0x5a: {  	_ =	shalt  }
0x5b: {  	_ =	shalt  }
0x5c: {  	_ =	shalt  }
0x5d: {  	_ =	shalt  }
0x5e: {  	_ =	shalt  }
0x5f: {  	_ =	shalt  }
0x60: {  	_ =	shalt  }
0x61: {  	_ =	shalt  }
0x62: {  	_ =	shalt  }
0x63: {  	_ =	shalt  }
0x64: {  	_ =	shalt  }
0x65: {  	_ =	shalt  }
0x66: {  	_ =	shalt  }
0x67: {  	_ =	shalt  }
0x68: {  	_ =	shalt  }
0x69: {  	_ =	shalt  }
0x6a: {  	_ =	shalt  }
0x6b: {  	_ =	shalt  }
0x6c: {  	_ =	shalt  }
0x6d: {  	_ =	shalt  }
0x6e: {  	_ =	shalt  }
0x6f: {  	_ =	shalt  }
0x70: {  	_ =	shalt  }
0x71: {  	_ =	shalt  }
0x72: {  	_ =	shalt  }
0x73: {  	_ =	shalt  }
0x74: {  	_ =	shalt  }
0x75: {  	_ =	shalt  }
0x76: {  	_ =	shalt  }
0x77: {  	_ =	shalt  }
0x78: {  	_ =	shalt  }
0x79: {  	_ =	shalt  }
0x7a: {  	_ =	shalt  }
0x7b: {  	_ =	shalt  }
0x7c: {  	_ =	shalt  }
0x7d: {  	_ =	shalt  }
0x7e: {  	_ =	shalt  }
0x7f: {  	_ =	shalt  }
0x80: {  	_ =	shalt  }
0x81: {  	_ =	shalt  }
0x82: {  	_ =	shalt  }
0x83: {  	_ =	shalt  }
0x84: {  	_ =	shalt  }
0x85: {  	_ =	shalt  }
0x86: {  	_ =	shalt  }
0x87: {  	_ =	shalt  }
.Lfunc_end0:
.L_simem_size_0:
called_computation.2_lowered:
.L_overlay_start_0:
0x88: {  	s2 =	sld [smem:$0x3FD9]  }
0x89: {  	s3 =	sld [smem:$0x3FFE];
	_ =	sdelay $0x1  }
0x8a: {  	s1 =	srdreg.scid  }
0x8b: {  	s0 =	sand.u32 $0x1, s1  }
0x8c: {  	s16 =	sshll.u32 s0, $0xA;
	s2 =	sadd.s32 s3, s2  }
0x8d: {  	s2 =	sadd.s32 s2, s16  }
0x8e: {  	[smem:$0x3FBF] =	sst s2  }
0x8f: {  	_ = 	snop  }
0x90: {  	(tm) =	ssettm $0x1  }
0x91: {  	s17 =	sld [smem:$0x3FFB];
	_ =	sdelay $0x3  }
0x92: {  	_ =	strace s17  }
0x93: {  	s2 =	sld [smem:$0x3FFC];
	_ =	sdelay $0x3  }
0x94: {  	_ =	strace s2  }
0x95: {  	s2 =	sld [smem:$0x3FFD];
	_ =	sdelay $0x3  }
0x96: {  	_ =	strace s2  }
0x97: {  	_ =	strace $0x8FFFFFFF  }
0x98: {  	s18 =	sld [smem:$0x3FDB];
	_ =	sdelay $0x1  }
0x99: {  	s19 =	simm.s32 $_scs_section_size  }
0x9a: {  	s4 =	simm.s32 $_size__tile_overlayer_lowered;
	s5 =	simm.s32 $_tile_overlayer_lowered  }
0x9b: {  	s22 =	simm.s32 $0x1BFF;
	s21 =	sshll.u32 s5, $0x1;
	s2 =	sadd.s32 s19, s18  }
0x9c: {  	s6 =	simm.s32 $0x0;
	s20 =	sshll.u32 s4, $0x1;
	s4 =	sadd.s32 s21, s2  }
0x9d: {  	[timem:s6], [sflag:s22] =	dma.local [hbm:s4], s20  }
0x9e: {  	_ =	swait.ge [sflag:s22], s20  }
0x9f: {  	s3 =	ssub.s32 $0x0, s20;
	[sflag:s22] =	ssyncset.done $0x0  }
0xa0: {  	[sflag:s22] =	ssyncadd.s32 s3;
	_ =	sdelay $0x1  }
0xa1: {  	s23 =	simm.s32 $0x1B8B  }
0xa2: {  	_ =	swait.ge [sflag:s23], $0x1  }
0xa3: {  	[sflag:s23] =	ssyncset.done $0x0  }
0xa4: {  	s25 =	simm.s32 $0x1B8E;
	s24 =	sld [smem:$0x3FFE];
	[sflag:s23] =	ssyncadd.s32 $0xFFFFFFFF  }
0xa5: {  	s26 =	simm.s32 $execute0_lowered;
	[smem:$0x3FD2] =	sst s25  }
0xa6: {  	s4 =	sshll.u32 s26, $0x1;
	_ =	strace $0x8000004C;
	[dreg:$0x1] =	wrdreg $0xFFFFFFFF  }
0xa7: {  	s28 =	simm.s32 $_size_execute0_lowered;
	s2 =	sadd.s32 s2, s4;
	[dreg:$0x0] =	wrdreg $0x0  }
0xa8: {  	s4 =	sshll.u32 s28, $0x1;
	[dreg:$0x2] =	wrdreg s2  }
0xa9: {  	[dreg:$0x3] =	wrdreg s4  }
0xaa: {  	[dreg:$0x4] =	wrdreg $0xC0  }
0xab: {  	_ =	task [dreg:s6], $0x5FFFF  }
0xac: {  	[dreg:$0x1] =	wrdreg $0xFFFFFFFF  }
0xad: {  	[dreg:$0x0] =	wrdreg $0x60  }
0xae: {  	[dreg:$0x2] =	wrdreg s24  }
0xaf: {  	[dreg:$0x3] =	wrdreg $0x150000  }
0xb0: {  	[dreg:$0x4] =	wrdreg $0x9  }
0xb1: {  	_ =	task.clear_ibuf [dreg:s6], $0x5FFFF;
	_ =	strace $0x9000004C  }
0xb2: {  	s29 =	simm.s32 $0x9;
	_ =	strace $0x8000004E  }
0xb3: {  	_ =	swait.ge [sflag:s29], $0x1  }
0xb4: {  	[sflag:s29] =	ssyncadd.s32 $0xFFFFFFFF  }
0xb5: {  	_ =	strace $0x9000004E  }
0xb6: {  	_ =	sfence  }
0xb7: {  	s30 =	sld [smem:$0x0];
	_ =	sdelay $0x2  }
0xb8: {  	s31 =	sshll.u32 s1, $0xD;
	s1 =	sshrl.u32 s1, $0x2  }
0xb9: {  	s3 =	sand.u32 $0x4000, s31;
	s1 =	sadd.s32 s1, s30  }
0xba: {  	s0 =	sor.u32 s3, s0;
	s1 =	sshll.u32 s1, $0x11  }
0xbb: {  	s0 =	sor.u32 s1, s0  }
0xbc: {  	s0 =	sadd.s32 $0x8F2B, s0  }
0xbd: {  	[sflag:s0] =	ssyncadd.remote.s32 $0x1  }
0xbe: {  	_ =	sfence.sel $0xFFFF  }
0xbf: {  	[dreg:$0x0] =	wrdreg $0xFFFFFFFF;
	(pc) =	sbr.abs _section_cstart, $3  }
0xc0: {  	[dreg:$0x1] =	wrdreg $0xFFFFFFFF  }
0xc1: {  	_ =	task.clear_ibuf [dreg:s6], $0x2FFFF;
	_ =	strace $0x9FFFFFFF  }
0xc2: {  	(tm) =	ssettm $0x7FFFFFFF  }
0xc3: {  	_ =	shalt  }
tec
execute0_lowered:
.L_overlay_start_1:
0x0: {  	(tag) =	ssettag $0x1  }
0x1: {  	s5 =	rddreg [dreg:$0x0];
	s1 =	srdreg.scid  }
0x2: {  	s0 =	stileid.u32;
	s2 =	rddreg [dreg:$0x1];
	s3 =	simm.s32 $0x0  }
0x3: {  	s14 =	simm.s32 $0x80;
	s15 =	simm.s32 $0x0;
	s7 =	smul.u32 $0x2800, s0  }
0x4: {  	s6 =	sand.u32 $0x1, s1;
	s1 =	rddreg [dreg:$0x2];
	s8 =	smul.u32 $0x14000, s0  }
0x5: {  	[smem:$0x7FF] =	sst s3;
	s31 =	sshll.u32 s0, $0x6;
	s4 =	smul.u32 $0x28000, s6  }
0x6: {  	_ =	strace $0x8000004D;
	s10 =	smul.u32 $0x140000, s6;
	s6 =	ssub.s32 $0x2, s6  }
0x7: {  	s11 =	sshrl.u32 s8, $0x4;
	s29 =	sshrl.u32 s6, $0x1;
	s30 =	sshrl.u32 s8, $0x1  }
0x8: {  	s9 =	sadd.s32 s7, s4;
	s4 =	sadd.s32 $0x2AC00, s5;
	s7 =	sshrl.u32 s7, $0x3  }
0x9: {  	s10 =	sadd.s32 s8, s10;
	s11 =	sadd.s32 s11, s5;
	s12 =	ssub.s32 s6, s29  }
0xa: {  	s13 =	sadd.s32 s30, s2;
	s9 =	sshrl.u32 s9, $0x3;
	s7 =	sadd.s32 s7, s5  }
0xb: {  	s10 =	sshrl.u32 s10, $0x4;
	s6 =	sadd.s32 $0xCC00, s11;
	s11 =	simm.s32 $0x11  }
0xc: {  	s13 =	sshrl.u32 s13, $0x3;
	s9 =	sadd.s32 s9, s5;
	s10 =	sadd.s32 s10, s5  }
0xd: {  	s5 =	sadd.s32 $0x7600, s7;
	s7 =	sadd.s32 $0x20C00, s9;
	s8 =	sadd.s32 $0x52C00, s10  }
0xe: {  	s9 =	smax.u32 s12, $0x1;
	s10 =	simm.s32 $0x2800;
	s12 =	sor.u32 $0x1C11, s31  }
.LBB2_1:
0xf: {  	[tilespmem:s10], [sflag:$0x11] =	stream.linear.gather [hbm4b:s5+s3], $0x2800, $0x38;
	[tilespmem:$0x1F000] =	vst v63  }
0x10: {  	_ =	swait.ge [sflag:s11], $0x2800  }
0x11: {  	[sflag:s11] =	ssyncset.done $0x0  }
0x12: {  	[sflag:s11] =	ssyncadd.s32 $0xFFFFD800  }
0x13: {  	[spmem:s13], [sflag:s12] =	dma.local [hbm:s6], $0x1400  }
0x14: {  	_ =	swait.ge [sflag:s11], $0x1400  }
0x15: {  	[sflag:s11] =	ssyncset.done $0x0  }
0x16: {  	[sflag:s11] =	ssyncadd.s32 $0xFFFFEC00  }
0x17: {  	[tilespmem:s3], [sflag:$0x11] =	stream.linear.gather [hbm4b:s7+s3], $0x2800, $0x38;
	[tilespmem:$0x1F000] =	vst v63  }
0x18: {  	_ =	swait.ge [sflag:s11], $0x2800  }
0x19: {  	[sflag:s11] =	ssyncset.done $0x0  }
0x1a: {  	s16 =	simm.s32 $0x2600;
	[sflag:s11] =	ssyncadd.s32 $0xFFFFD800  }
0x1b: {  	s17 =	simm.s32 $0x0;
	s18 =	simm.s32 $0x0;
	[bflag:$0x0] =	sbarrier.arrive $0xFFFF  }
.LBB2_2:
0x1c: {  	s19 =	sand.u32 $0x7, s18;
	p0 =	slt.u32 s18, $0x8  }
0x1d: {  	s20 =	sadd.s32 @!p0 $0x9, s19  }
0x1e: {  	p1 =	sgt.u32 @!p0 s18, $0x4F;
	_ =	swait.ge @!p0 [sflag:s20], $0x2000  }
0x1f: {  	s31 =	sadd.s32 $0xFFFFFFFC, s18;
	p1 =	por p0, !p1;
	[sflag:s20] =	ssyncset.done @!p0 $0x0  }
0x20: {  	[sflag:s20] =	ssyncadd.s32 @!p0 $0xFFFFE000;
	s20 =	sshll.u32 @p1 s19, $0xD;
	p0 =	sgt.u32 s31, $0x4F  }
0x21: {  	s21 =	sadd.s32 @p1 $0x1, s19;
	s20 =	sadd.s32 @p1 $0x5000, s20;
	s19 =	sxor.u32 @!p0 $0x4, s19  }
0x22: {  	[tilespmem:s20], [sflag:s21] =	stream.indirect.gather @p1 [hbm4b:s4+s14], $0x40, s17, s14, $0xb8;
	[tilespmem:$0x1F000] =	vst v63  }
0x23: {  	s20 =	sadd.s32 @!p0 $0x1, s19  }
0x24: {  	s18 =	sadd.s32 $0x1, s18;
	_ =	swait.ge @!p0 [sflag:s20], $0x2000  }
0x25: {  	s21 =	sshll.u32 @!p0 s19, $0xD;
	s19 =	sadd.s32 @!p0 $0x9, s19;
	[sflag:s20] =	ssyncset.done @!p0 $0x0  }
0x26: {  	s21 =	sadd.s32 @!p0 $0x5000, s21;
	[sflag:s20] =	ssyncadd.s32 @!p0 $0xFFFFE000;
	s20 =	simm.s32 @!p0 $0x80  }
0x27: {  	[spmem:s2] =	stream.indirect.scatter.add.bf16 @!p0 [tilespmem:s21], [sflag:s19], $0x40, s16, s20, $0xb8;
	[tilespmem:$0x1F000] =	vst v63  }
0x28: {  	p0 =	sne.s32 s18, $0x58  }
.Ltmp0:
0x29: {  	_ = 	snop;
	(pc) =	sbr.rel @p0 .LBB2_2-.Ltmp0, $2  }
0x2a: {  	_ =	sdelay $0x2  }
0x2b: {  	s17 =	sadd.s32 $0x80, s17;
	s16 =	sadd.s32 $0x80, s16  }
0x2c: {  	s15 =	sadd.s32 $0x1, s15  }
0x2d: {  	p0 =	sne.s32 s15, s9  }
.Ltmp1:
0x2e: {  	[bflag:$0x0] =	sbarrier.arrive $0xFFFF;
	(pc) =	sbr.rel @p0 .LBB2_1-.Ltmp1, $4  }
0x2f: {  	[hbm:s8], [sflag:s12] =	dma.local [spmem:s13], $0x1400  }
0x30: {  	_ =	swait.ge [sflag:s11], $0x1400  }
0x31: {  	[sflag:s11] =	ssyncset.done $0x0  }
0x32: {  	[sflag:s11] =	ssyncadd.s32 $0xFFFFEC00  }
0x33: {  	_ =	sfence.sel $0x180000  }
0x34: {  	[bflag:$0x0] =	sbarrier.arrive $0xFFFF  }
0x35: {  	p0 =	sne.s32 s0, $0x0;
	_ =	strace $0x9000004D  }
0x36: {  	s0 =	sadd.s32 @!p0 $0x100000, s1;
	[bflag:$0x2] =	sbarrier.arrive $0xFFFF  }
0x37: {  	[sflag:s0] =	ssyncadd.tile.s32 @!p0 $0x1;
	_ =	shalt  }
.Lfunc_end2:
_tile_overlayer_lowered:
.L_overlay_start_2:
0x38: {  	(tag) =	ssettag $0x2  }
0x39: {  	s0 =	rddreg [dreg:$0x0];
	s2 =	stileid.u32  }
0x3a: {  	s1 =	rddreg [dreg:$0x1];
	p0 =	sne.s32 s2, $0x0  }
0x3b: {  	s3 =	rddreg [dreg:$0x2];
	[bflag:$0x3] =	sbarrier.arrive $0xFFFF;
	s2 =	simm.s32 @!p0 $0x1C11  }
0x3c: {  	[timem:s3], [sflag:s2] =	dma.local @!p0 [hbm:s0], s1  }
0x3d: {  	s0 =	simm.s32 @!p0 $0x11  }
0x3e: {  	_ =	swait.ge @!p0 [sflag:s0], s1  }
0x3f: {  	s1 =	ssub.s32 @!p0 $0x0, s1;
	[sflag:s0] =	ssyncset.done @!p0 $0x0  }
0x40: {  	[sflag:s0] =	ssyncadd.s32 @!p0 s1  }
0x41: {  	[bflag:$0x3] =	sbarrier.arrive $0xFFFF  }
0x42: {  	_ =	shalt  }

// kernel: kernel.19.cloned.1.call-start
scs
__scs_entry_jumppad:
0x0: {  	(pc) =	sbr.rel $0x88, $3  }
0x1: {  	(tag) =	ssettag $0x0;
	lr =	simm.s32 $0x1  }
0x2: {  	[smem:$0x3F98] =	sst lr;
	_ =	strace $0xD0000000  }
0x3: {  	_ = 	snop  }
0x4: {  	_ = 	snop  }
0x5: {  	_ = 	snop  }
0x6: {  	_ = 	snop  }
0x7: {  	_ = 	snop  }
__scs_overlays_trampoline_lowered:
0x8: {  	[smem:$0x3FA7] =	sst s0  }
0x9: {  	[smem:$0x3FA8] =	sst s1  }
0xa: {  	[smem:$0x3FA9] =	sst s2  }
0xb: {  	[smem:$0x3FAA] =	sst s3  }
0xc: {  	[smem:$0x3FAB] =	sst s4  }
0xd: {  	[smem:$0x3FAC] =	sst s5  }
0xe: {  	[smem:$0x3FAD] =	sst s6  }
0xf: {  	[smem:$0x3FAE] =	sst s7  }
0x10: {  	[smem:$0x3FAF] =	sst s8  }
0x11: {  	[smem:$0x3FB0] =	sst s9;
	s0 =	simm.s32 @!p0 $0x0  }
0x12: {  	s1 =	sld [smem:$0x3F96];
	s0 =	simm.s32 @p0 $0x1  }
0x13: {  	[smem:$0x3FB1] =	sst s0;
	s0 =	simm.s32 @!p1 $0x0  }
0x14: {  	s2 =	sld [smem:$0x3F95];
	s0 =	simm.s32 @p1 $0x1  }
0x15: {  	[smem:$0x3FB2] =	sst s0;
	s0 =	simm.s32 @!p2 $0x0  }
0x16: {  	s3 =	sld [smem:$0x3FDB];
	s0 =	simm.s32 @p2 $0x1  }
0x17: {  	s4 =	simm.s32 $0x1BF5;
	[smem:$0x3FB4] =	sst s0  }
0x18: {  	s0 =	sld [smem:$0x3F97];
	_ =	swait.ge [sflag:s4], $0x0  }
0x19: {  	s7 =	sld [smem:$0x3F98]  }
0x1a: {  	s8 =	sadd.s32 $0xFFFFE003, lr  }
0x1b: {  	s9 =	sadd.s32 $0xFFFFFEF7, lr;
	s5 =	simm.s32 $0xFFFFFFFF;
	p2 =	slt.u32 s8, $0xFFFFF086  }
0x1c: {  	p1 =	slt.u32 s9, $0xF7A;
	s5 =	simm.s32 @!p2 $0x0  }
0x1d: {  	s5 =	simm.s32 @p1 $0x1;
	p0 =	seq.s32 s7, s2  }
0x1e: {  	s7 =	smul.u32 @!p0 $0xF7A, s2;
	p2 =	seq.s32 @!p0 s5, $0x0  }
0x1f: {  	s9 =	smul.u32 $0xF7A, s1;
	s8 =	simm.s32 @!p0 $0x1BF5;
	p2 =	por !p2, p0  }
0x20: {  	[sflag:s8] =	ssyncset.s32 @!p0 $0xFFFFF086;
	s6 =	sadd.s32 @!p0 s3, s7;
	s7 =	simm.s32 @!p0 $0x108  }
0x21: {  	s3 =	sadd.s32 s3, s9;
	s6 =	sadd.s32 @!p0 $0x88, s6;
	s7 =	simm.s32 @p2 $0x1082  }
0x22: {  	[simem:s7], [sflag:s8] =	dma.local @!p0 [hbm:s6], $0xF7A  }
0x23: {  	s9 =	sor.u32 $0xD0000000, s2;
	s6 =	simm.s32 $0x108;
	_ =	swait.ge @!p0 [sflag:s8], $0x0  }
0x24: {  	s3 =	sadd.s32 $0x88, s3;
	s6 =	simm.s32 @!p1 $0x1082;
	[sflag:s4] =	ssyncset.s32 $0xFFFFF086  }
0x25: {  	[simem:s6], [sflag:s4] =	dma.local [hbm:s3], $0xF7A  }
0x26: {  	[smem:$0x3F98] =	sst s1;
	(tag) =	ssettag s2;
	_ =	strace s9  }
0x27: {  	s1 =	sld [smem:$0x3FA8]  }
0x28: {  	s2 =	sld [smem:$0x3FA9]  }
0x29: {  	s4 =	sld [smem:$0x3FAB]  }
0x2a: {  	p0 =	seq.s32 s5, $0x0;
	s5 =	sld [smem:$0x3FAC]  }
0x2b: {  	s6 =	sld [smem:$0x3FAD]  }
0x2c: {  	s7 =	sld [smem:$0x3FAE]  }
0x2d: {  	s3 =	simm.s32 $0x108;
	s8 =	sld [smem:$0x3FAF]  }
0x2e: {  	s3 =	simm.s32 @!p0 $0x1082;
	s9 =	sld [smem:$0x3FB0]  }
0x2f: {  	lr =	sadd.s32 s0, s3;
	s0 =	sld [smem:$0x3FA7]  }
0x30: {  	s3 =	sld [smem:$0x3FAA]  }
0x31: {  	[smem:$0x3FB3] =	sst s10  }
0x32: {  	s10 =	sld [smem:$0x3FB1];
	_ =	sdelay $0x3  }
0x33: {  	p0 =	seq.s32 s10, $0x1;
	s10 =	sld [smem:$0x3FB3];
	_ =	sdelay $0x3  }
0x34: {  	[smem:$0x3FB3] =	sst s10  }
0x35: {  	s10 =	sld [smem:$0x3FB2];
	_ =	sdelay $0x3  }
0x36: {  	p1 =	seq.s32 s10, $0x1;
	s10 =	sld [smem:$0x3FB3];
	_ =	sdelay $0x3  }
0x37: {  	[smem:$0x3FB3] =	sst s10  }
0x38: {  	s10 =	sld [smem:$0x3FB4]  }
0x39: {  	_ = 	snop;
	(pc) =	sbr.ind lr, $3  }
0x3a: {  	_ = 	snop  }
0x3b: {  	_ = 	snop  }
0x3c: {  	p2 =	seq.s32 s10, $0x1;
	s10 =	sld [smem:$0x3FB3]  }
0x3d: {  	_ =	shalt  }
0x3e: {  	_ =	shalt  }
0x3f: {  	_ =	shalt  }
0x40: {  	_ =	shalt  }
0x41: {  	_ =	shalt  }
0x42: {  	_ =	shalt  }
0x43: {  	_ =	shalt  }
0x44: {  	_ =	shalt  }
0x45: {  	_ =	shalt  }
0x46: {  	_ =	shalt  }
0x47: {  	_ =	shalt  }
0x48: {  	_ =	shalt  }
0x49: {  	_ =	shalt  }
0x4a: {  	_ =	shalt  }
0x4b: {  	_ =	shalt  }
0x4c: {  	_ =	shalt  }
0x4d: {  	_ =	shalt  }
0x4e: {  	_ =	shalt  }
0x4f: {  	_ =	shalt  }
0x50: {  	_ =	shalt  }
0x51: {  	_ =	shalt  }
0x52: {  	_ =	shalt  }
0x53: {  	_ =	shalt  }
0x54: {  	_ =	shalt  }
0x55: {  	_ =	shalt  }
0x56: {  	_ =	shalt  }
0x57: {  	_ =	shalt  }
0x58: {  	_ =	shalt  }
0x59: {  	_ =	shalt  }
0x5a: {  	_ =	shalt  }
0x5b: {  	_ =	shalt  }
0x5c: {  	_ =	shalt  }
0x5d: {  	_ =	shalt  }
0x5e: {  	_ =	shalt  }
0x5f: {  	_ =	shalt  }
0x60: {  	_ =	shalt  }
0x61: {  	_ =	shalt  }
0x62: {  	_ =	shalt  }
0x63: {  	_ =	shalt  }
0x64: {  	_ =	shalt  }
0x65: {  	_ =	shalt  }
0x66: {  	_ =	shalt  }
0x67: {  	_ =	shalt  }
0x68: {  	_ =	shalt  }
0x69: {  	_ =	shalt  }
0x6a: {  	_ =	shalt  }
0x6b: {  	_ =	shalt  }
0x6c: {  	_ =	shalt  }
0x6d: {  	_ =	shalt  }
0x6e: {  	_ =	shalt  }
0x6f: {  	_ =	shalt  }
0x70: {  	_ =	shalt  }
0x71: {  	_ =	shalt  }
0x72: {  	_ =	shalt  }
0x73: {  	_ =	shalt  }
0x74: {  	_ =	shalt  }
0x75: {  	_ =	shalt  }
0x76: {  	_ =	shalt  }
0x77: {  	_ =	shalt  }
0x78: {  	_ =	shalt  }
0x79: {  	_ =	shalt  }
0x7a: {  	_ =	shalt  }
0x7b: {  	_ =	shalt  }
0x7c: {  	_ =	shalt  }
0x7d: {  	_ =	shalt  }
0x7e: {  	_ =	shalt  }
0x7f: {  	_ =	shalt  }
0x80: {  	_ =	shalt  }
0x81: {  	_ =	shalt  }
0x82: {  	_ =	shalt  }
0x83: {  	_ =	shalt  }
0x84: {  	_ =	shalt  }
0x85: {  	_ =	shalt  }
0x86: {  	_ =	shalt  }
0x87: {  	_ =	shalt  }
.Lfunc_end0:
.L_simem_size_0:
called_computation.3_lowered:
.L_overlay_start_0:
0x88: {  	s2 =	sld [smem:$0x3FD9]  }
0x89: {  	s3 =	sld [smem:$0x3FFE];
	_ =	sdelay $0x1  }
0x8a: {  	s1 =	srdreg.scid  }
0x8b: {  	s0 =	sand.u32 $0x1, s1  }
0x8c: {  	s16 =	sshll.u32 s0, $0xA;
	s2 =	sadd.s32 s3, s2  }
0x8d: {  	s2 =	sadd.s32 s2, s16  }
0x8e: {  	[smem:$0x3FBF] =	sst s2  }
0x8f: {  	_ = 	snop  }
0x90: {  	(tm) =	ssettm $0x1  }
0x91: {  	s17 =	sld [smem:$0x3FFB];
	_ =	sdelay $0x3  }
0x92: {  	_ =	strace s17  }
0x93: {  	s2 =	sld [smem:$0x3FFC];
	_ =	sdelay $0x3  }
0x94: {  	_ =	strace s2  }
0x95: {  	s2 =	sld [smem:$0x3FFD];
	_ =	sdelay $0x3  }
0x96: {  	_ =	strace s2  }
0x97: {  	_ =	strace $0x8FFFFFFF  }
0x98: {  	s18 =	sld [smem:$0x3FDB];
	_ =	sdelay $0x1  }
0x99: {  	s19 =	simm.s32 $_scs_section_size  }
0x9a: {  	s4 =	simm.s32 $_size__tile_overlayer_lowered;
	s5 =	simm.s32 $_tile_overlayer_lowered  }
0x9b: {  	s22 =	simm.s32 $0x1BFF;
	s21 =	sshll.u32 s5, $0x1;
	s2 =	sadd.s32 s19, s18  }
0x9c: {  	s6 =	simm.s32 $0x0;
	s20 =	sshll.u32 s4, $0x1;
	s4 =	sadd.s32 s21, s2  }
0x9d: {  	[timem:s6], [sflag:s22] =	dma.local [hbm:s4], s20  }
0x9e: {  	_ =	swait.ge [sflag:s22], s20  }
0x9f: {  	s3 =	ssub.s32 $0x0, s20;
	[sflag:s22] =	ssyncset.done $0x0  }
0xa0: {  	[sflag:s22] =	ssyncadd.s32 s3;
	_ =	sdelay $0x1  }
0xa1: {  	s23 =	simm.s32 $0x1B8B  }
0xa2: {  	_ =	swait.ge [sflag:s23], $0x1  }
0xa3: {  	[sflag:s23] =	ssyncset.done $0x0  }
0xa4: {  	s25 =	simm.s32 $0x1B8E;
	s24 =	sld [smem:$0x3FFE];
	[sflag:s23] =	ssyncadd.s32 $0xFFFFFFFF  }
0xa5: {  	s26 =	simm.s32 $execute0_lowered;
	[smem:$0x3FD2] =	sst s25  }
0xa6: {  	s4 =	sshll.u32 s26, $0x1;
	_ =	strace $0x8000004F;
	[dreg:$0x1] =	wrdreg $0xFFFFFFFF  }
0xa7: {  	s28 =	simm.s32 $_size_execute0_lowered;
	s2 =	sadd.s32 s2, s4;
	[dreg:$0x0] =	wrdreg $0x0  }
0xa8: {  	s4 =	sshll.u32 s28, $0x1;
	[dreg:$0x2] =	wrdreg s2  }
0xa9: {  	[dreg:$0x3] =	wrdreg s4  }
0xaa: {  	[dreg:$0x4] =	wrdreg $0xC0  }
0xab: {  	_ =	task [dreg:s6], $0x5FFFF  }
0xac: {  	[dreg:$0x1] =	wrdreg $0xFFFFFFFF  }
0xad: {  	[dreg:$0x0] =	wrdreg $0x60  }
0xae: {  	[dreg:$0x2] =	wrdreg s24  }
0xaf: {  	[dreg:$0x3] =	wrdreg $0x150000  }
0xb0: {  	[dreg:$0x4] =	wrdreg $0x9  }
0xb1: {  	_ =	task.clear_ibuf [dreg:s6], $0x5FFFF;
	_ =	strace $0x9000004F  }
0xb2: {  	s29 =	simm.s32 $0x9;
	_ =	strace $0x80000051  }
0xb3: {  	_ =	swait.ge [sflag:s29], $0x1  }
0xb4: {  	[sflag:s29] =	ssyncadd.s32 $0xFFFFFFFF  }
0xb5: {  	_ =	strace $0x90000051  }
0xb6: {  	_ =	sfence  }
0xb7: {  	s30 =	sld [smem:$0x0];
	_ =	sdelay $0x2  }
0xb8: {  	s31 =	sshll.u32 s1, $0xD;
	s1 =	sshrl.u32 s1, $0x2  }
0xb9: {  	s3 =	sand.u32 $0x4000, s31;
	s1 =	sadd.s32 s1, s30  }
0xba: {  	s0 =	sor.u32 s3, s0;
	s1 =	sshll.u32 s1, $0x11  }
0xbb: {  	s0 =	sor.u32 s1, s0  }
0xbc: {  	s0 =	sadd.s32 $0x8F2B, s0  }
0xbd: {  	[sflag:s0] =	ssyncadd.remote.s32 $0x1  }
0xbe: {  	_ =	sfence.sel $0xFFFF  }
0xbf: {  	[dreg:$0x0] =	wrdreg $0xFFFFFFFF;
	(pc) =	sbr.abs _section_cstart, $3  }
0xc0: {  	[dreg:$0x1] =	wrdreg $0xFFFFFFFF  }
0xc1: {  	_ =	task.clear_ibuf [dreg:s6], $0x2FFFF;
	_ =	strace $0x9FFFFFFF  }
0xc2: {  	(tm) =	ssettm $0x7FFFFFFF  }
0xc3: {  	_ =	shalt  }
tec
execute0_lowered:
.L_overlay_start_1:
0x0: {  	(tag) =	ssettag $0x1  }
0x1: {  	s5 =	rddreg [dreg:$0x0];
	s1 =	srdreg.scid  }
0x2: {  	s0 =	stileid.u32;
	s2 =	rddreg [dreg:$0x1];
	s3 =	simm.s32 $0x0  }
0x3: {  	s14 =	simm.s32 $0x80;
	s15 =	simm.s32 $0x0;
	s7 =	smul.u32 $0x2800, s0  }
0x4: {  	s6 =	sand.u32 $0x1, s1;
	s1 =	rddreg [dreg:$0x2];
	s8 =	smul.u32 $0x14000, s0  }
0x5: {  	[smem:$0x7FF] =	sst s3;
	s31 =	sshll.u32 s0, $0x6;
	s4 =	smul.u32 $0x28000, s6  }
0x6: {  	_ =	strace $0x80000050;
	s10 =	smul.u32 $0x140000, s6;
	s6 =	ssub.s32 $0x2, s6  }
0x7: {  	s11 =	sshrl.u32 s8, $0x4;
	s29 =	sshrl.u32 s6, $0x1;
	s30 =	sshrl.u32 s8, $0x1  }
0x8: {  	s9 =	sadd.s32 s7, s4;
	s4 =	sadd.s32 $0x2AC00, s5;
	s7 =	sshrl.u32 s7, $0x3  }
0x9: {  	s10 =	sadd.s32 s8, s10;
	s11 =	sadd.s32 s11, s5;
	s12 =	ssub.s32 s6, s29  }
0xa: {  	s13 =	sadd.s32 s30, s2;
	s9 =	sshrl.u32 s9, $0x3;
	s7 =	sadd.s32 s7, s5  }
0xb: {  	s10 =	sshrl.u32 s10, $0x4;
	s6 =	sadd.s32 $0xCC00, s11;
	s11 =	simm.s32 $0x11  }
0xc: {  	s13 =	sshrl.u32 s13, $0x3;
	s9 =	sadd.s32 s9, s5;
	s10 =	sadd.s32 s10, s5  }
0xd: {  	s5 =	sadd.s32 $0x7600, s7;
	s7 =	sadd.s32 $0x20C00, s9;
	s8 =	sadd.s32 $0x52C00, s10  }
0xe: {  	s9 =	smax.u32 s12, $0x1;
	s10 =	simm.s32 $0x2800;
	s12 =	sor.u32 $0x1C11, s31  }
.LBB2_1:
0xf: {  	[tilespmem:s10], [sflag:$0x11] =	stream.linear.gather [hbm4b:s5+s3], $0x2800, $0x38;
	[tilespmem:$0x1F000] =	vst v63  }
0x10: {  	_ =	swait.ge [sflag:s11], $0x2800  }
0x11: {  	[sflag:s11] =	ssyncset.done $0x0  }
0x12: {  	[sflag:s11] =	ssyncadd.s32 $0xFFFFD800  }
0x13: {  	[spmem:s13], [sflag:s12] =	dma.local [hbm:s6], $0x1400  }
0x14: {  	_ =	swait.ge [sflag:s11], $0x1400  }
0x15: {  	[sflag:s11] =	ssyncset.done $0x0  }
0x16: {  	[sflag:s11] =	ssyncadd.s32 $0xFFFFEC00  }
0x17: {  	[tilespmem:s3], [sflag:$0x11] =	stream.linear.gather [hbm4b:s7+s3], $0x2800, $0x38;
	[tilespmem:$0x1F000] =	vst v63  }
0x18: {  	_ =	swait.ge [sflag:s11], $0x2800  }
0x19: {  	[sflag:s11] =	ssyncset.done $0x0  }
0x1a: {  	s16 =	simm.s32 $0x2600;
	[sflag:s11] =	ssyncadd.s32 $0xFFFFD800  }
0x1b: {  	s17 =	simm.s32 $0x0;
	s18 =	simm.s32 $0x0;
	[bflag:$0x0] =	sbarrier.arrive $0xFFFF  }
.LBB2_2:
0x1c: {  	s19 =	sand.u32 $0x7, s18;
	p0 =	slt.u32 s18, $0x8  }
0x1d: {  	s20 =	sadd.s32 @!p0 $0x9, s19  }
0x1e: {  	p1 =	sgt.u32 @!p0 s18, $0x4F;
	_ =	swait.ge @!p0 [sflag:s20], $0x2000  }
0x1f: {  	s31 =	sadd.s32 $0xFFFFFFFC, s18;
	p1 =	por p0, !p1;
	[sflag:s20] =	ssyncset.done @!p0 $0x0  }
0x20: {  	[sflag:s20] =	ssyncadd.s32 @!p0 $0xFFFFE000;
	s20 =	sshll.u32 @p1 s19, $0xD;
	p0 =	sgt.u32 s31, $0x4F  }
0x21: {  	s21 =	sadd.s32 @p1 $0x1, s19;
	s20 =	sadd.s32 @p1 $0x5000, s20;
	s19 =	sxor.u32 @!p0 $0x4, s19  }
0x22: {  	[tilespmem:s20], [sflag:s21] =	stream.indirect.gather @p1 [hbm4b:s4+s14], $0x40, s17, s14, $0xb8;
	[tilespmem:$0x1F000] =	vst v63  }
0x23: {  	s20 =	sadd.s32 @!p0 $0x1, s19  }
0x24: {  	s18 =	sadd.s32 $0x1, s18;
	_ =	swait.ge @!p0 [sflag:s20], $0x2000  }
0x25: {  	s21 =	sshll.u32 @!p0 s19, $0xD;
	s19 =	sadd.s32 @!p0 $0x9, s19;
	[sflag:s20] =	ssyncset.done @!p0 $0x0  }
0x26: {  	s21 =	sadd.s32 @!p0 $0x5000, s21;
	[sflag:s20] =	ssyncadd.s32 @!p0 $0xFFFFE000;
	s20 =	simm.s32 @!p0 $0x80  }
0x27: {  	[spmem:s2] =	stream.indirect.scatter.add.bf16 @!p0 [tilespmem:s21], [sflag:s19], $0x40, s16, s20, $0xb8;
	[tilespmem:$0x1F000] =	vst v63  }
0x28: {  	p0 =	sne.s32 s18, $0x58  }
.Ltmp0:
0x29: {  	_ = 	snop;
	(pc) =	sbr.rel @p0 .LBB2_2-.Ltmp0, $2  }
0x2a: {  	_ =	sdelay $0x2  }
0x2b: {  	s17 =	sadd.s32 $0x80, s17;
	s16 =	sadd.s32 $0x80, s16  }
0x2c: {  	s15 =	sadd.s32 $0x1, s15  }
0x2d: {  	p0 =	sne.s32 s15, s9  }
.Ltmp1:
0x2e: {  	[bflag:$0x0] =	sbarrier.arrive $0xFFFF;
	(pc) =	sbr.rel @p0 .LBB2_1-.Ltmp1, $4  }
0x2f: {  	[hbm:s8], [sflag:s12] =	dma.local [spmem:s13], $0x1400  }
0x30: {  	_ =	swait.ge [sflag:s11], $0x1400  }
0x31: {  	[sflag:s11] =	ssyncset.done $0x0  }
0x32: {  	[sflag:s11] =	ssyncadd.s32 $0xFFFFEC00  }
0x33: {  	_ =	sfence.sel $0x180000  }
0x34: {  	[bflag:$0x0] =	sbarrier.arrive $0xFFFF  }
0x35: {  	p0 =	sne.s32 s0, $0x0;
	_ =	strace $0x90000050  }
0x36: {  	s0 =	sadd.s32 @!p0 $0x100000, s1;
	[bflag:$0x2] =	sbarrier.arrive $0xFFFF  }
0x37: {  	[sflag:s0] =	ssyncadd.tile.s32 @!p0 $0x1;
	_ =	shalt  }
.Lfunc_end2:
_tile_overlayer_lowered:
.L_overlay_start_2:
0x38: {  	(tag) =	ssettag $0x2  }
0x39: {  	s0 =	rddreg [dreg:$0x0];
	s2 =	stileid.u32  }
0x3a: {  	s1 =	rddreg [dreg:$0x1];
	p0 =	sne.s32 s2, $0x0  }
0x3b: {  	s3 =	rddreg [dreg:$0x2];
	[bflag:$0x3] =	sbarrier.arrive $0xFFFF;
	s2 =	simm.s32 @!p0 $0x1C11  }
0x3c: {  	[timem:s3], [sflag:s2] =	dma.local @!p0 [hbm:s0], s1  }
0x3d: {  	s0 =	simm.s32 @!p0 $0x11  }
0x3e: {  	_ =	swait.ge @!p0 [sflag:s0], s1  }
0x3f: {  	s1 =	ssub.s32 @!p0 $0x0, s1;
	[sflag:s0] =	ssyncset.done @!p0 $0x0  }
0x40: {  	[sflag:s0] =	ssyncadd.s32 @!p0 s1  }
0x41: {  	[bflag:$0x3] =	sbarrier.arrive $0xFFFF  }
0x42: {  	_ =	shalt  }

</sc_bundles>
